<compile_context>
chip_gen: v7x
topology: tpu7x:2x2x1
jax: 0.10.2.dev20260603
libtpu: 0.0.44.dev20260713+nightly
codegen_flags: <defaults>
</compile_context>

<pallas_src>
import functools

import jax
import jax.numpy as jnp
from jax import lax
from jax.experimental import pallas as pl
from jax.experimental.pallas import tpu as pltpu
from jax.experimental.pallas import tpu_sc as plsc

N_NODES = 10000
N_EDGES = 320000
HIDDEN = 128

NC = 1
NS = 16
L = 16

EPT = N_EDGES // NS
S_PAD = 10240
ZSL = S_PAD // NS
PARAMS = 528
U = 10

_mesh = plsc.VectorSubcoreMesh(
    core_axis_name="c", subcore_axis_name="s", num_cores=NC)


@functools.partial(
    pl.kernel,
    out_type=jax.ShapeDtypeStruct((N_EDGES,), jnp.float32),
    mesh=_mesh,
    compiler_params=pltpu.CompilerParams(
        needs_layout_passes=False, use_tc_tiling_on_sc=False),
    scratch_types=[
        pltpu.VMEM((N_NODES,), jnp.float32),
        pltpu.VMEM((EPT,), jnp.int32),
        pltpu.VMEM((EPT,), jnp.int32),
        pltpu.VMEM((S_PAD,), jnp.float32),
        pltpu.VMEM((NS, ZSL), jnp.float32),
        pltpu.VMEM((EPT,), jnp.float32),
        pltpu.VMEM((PARAMS,), jnp.float32),
        pltpu.VMEM_SHARED((NS, S_PAD), jnp.float32),
        pltpu.VMEM_SHARED((S_PAD,), jnp.float32),
        pltpu.SemaphoreType.DMA,
        pltpu.SemaphoreType.DMA,
    ],
)
def _sc_kernel(x_hbm, ei_hbm, par_hbm, out_hbm,
               x_v, src_v, dst_v, s_v, red_v, out_v, par_v,
               part_sh, s_sh, sem, sem2):
    s_id = lax.axis_index("s")

    d_par = pltpu.async_copy(par_hbm, par_v, sem2)
    d_x = pltpu.async_copy(x_hbm, x_v, sem)
    d_src = pltpu.async_copy(ei_hbm.at[0, pl.ds(s_id * EPT, EPT)], src_v, sem)
    d_dst = pltpu.async_copy(ei_hbm.at[1, pl.ds(s_id * EPT, EPT)], dst_v, sem)

    zeros = jnp.zeros((L,), jnp.float32)

    @plsc.parallel_loop(0, S_PAD, L, unroll=8)
    def _(i):
        s_v[pl.ds(i, L)] = zeros

    d_x.wait()
    d_src.wait()
    d_dst.wait()

    @plsc.parallel_loop(0, EPT, L, unroll=U)
    def _(i):
        idx_s = src_v[pl.ds(i, L)]
        idx_d = dst_v[pl.ds(i, L)]
        v = plsc.load_gather(x_v, [idx_s])
        plsc.addupdate_scatter(s_v, [idx_d], v)

    pltpu.sync_copy(s_v, part_sh.at[s_id])
    plsc.subcore_barrier()

    rd = []
    for t in range(NS):
        rd.append(pltpu.async_copy(
            part_sh.at[t, pl.ds(s_id * ZSL, ZSL)], red_v.at[t], sem))
    for d in rd:
        d.wait()

    @plsc.parallel_loop(0, ZSL, L, unroll=4)
    def _(k):
        acc = red_v[0, pl.ds(k, L)]
        for t in range(1, NS):
            acc = acc + red_v[t, pl.ds(k, L)]
        s_v[pl.ds(k, L)] = acc

    pltpu.sync_copy(s_v.at[pl.ds(0, ZSL)], s_sh.at[pl.ds(s_id * ZSL, ZSL)])
    plsc.subcore_barrier()

    d_s = pltpu.async_copy(s_sh, s_v, sem)

    d_par.wait()
    acc_a = jnp.zeros((L,), jnp.float32)
    acc_b = jnp.zeros((L,), jnp.float32)
    acc_c = jnp.zeros((L,), jnp.float32)
    for j in range(HIDDEN // L):
        w = par_v[pl.ds(j * L, L)]
        w1 = par_v[pl.ds(HIDDEN + j * L, L)]
        w2 = par_v[pl.ds(2 * HIDDEN + j * L, L)]
        bi = par_v[pl.ds(3 * HIDDEN + j * L, L)]
        acc_a = acc_a + w * w1
        acc_b = acc_b + w * w2
        acc_c = acc_c + bi * (w1 + w2)
    acc_c = acc_c + par_v[pl.ds(4 * HIDDEN, L)]

    lane = lax.iota(jnp.int32, L)
    _dnums = lax.GatherDimensionNumbers(
        offset_dims=(), collapsed_slice_dims=(0,), start_index_map=(0,))

    def lane_sum(v):
        for sh in (8, 4, 2, 1):
            perm = jnp.bitwise_xor(lane, sh)
            v = v + lax.gather(
                v, perm[:, None], dimension_numbers=_dnums, slice_sizes=(1,),
                mode=lax.GatherScatterMode.PROMISE_IN_BOUNDS)
        return v

    a = lane_sum(acc_a)
    b = lane_sum(acc_b)
    c = lane_sum(acc_c)

    d_s.wait()

    @plsc.parallel_loop(0, EPT, L, unroll=U)
    def _(i):
        vs = plsc.load_gather(s_v, [src_v[pl.ds(i, L)]])
        vd = plsc.load_gather(s_v, [dst_v[pl.ds(i, L)]])
        out_v[pl.ds(i, L)] = a * vs + b * vd + c

    pltpu.sync_copy(out_v, out_hbm.at[pl.ds(s_id * EPT, EPT)])


def kernel(x, edge_index, W_lin, bias, W_dec, b_dec):
    ei = edge_index.astype(jnp.int32)

    params = jnp.concatenate([
        W_lin[0],
        W_dec[:, 0],
        bias,
        jnp.pad(b_dec, (0, L - 1)),
    ])

    return _sc_kernel(x[:, 0], ei, params).reshape(N_EDGES, 1)

# --- scband reference (transcript-rebuilt; emitter-appended) ---
"""Pipeline reference for scband-dt-recurrent-12532714569802 (READ-ONLY COPY).

The authoritative reference and input builder live on the scoring server;
editing this copy changes nothing except your own understanding.
"""

import jax, jax.numpy as jnp
import numpy as np

N_NODES = 10000
N_EDGES = 320000
HIDDEN = 128

def setup_inputs(seed: int = 0) -> dict:
    key = jax.random.key(seed)
    k1, k2, k3, k4, k5, k6 = jax.random.split(key, 6)
    x = jax.random.normal(k1, (N_NODES, 1), dtype=jnp.float32)
    edge_index = jax.random.randint(k2, (2, N_EDGES), 0, N_NODES, dtype=jnp.int64)
    # Parameters: lin (no bias), bias Parameter (zero-init per reset_parameters), decode Linear
    W_lin = jax.random.normal(k3, (1, HIDDEN), dtype=jnp.float32) * (1.0 / np.sqrt(1.0))
    bias = jnp.zeros((HIDDEN,), dtype=jnp.float32)
    W_dec = jax.random.normal(k4, (2 * HIDDEN, 1), dtype=jnp.float32) * (1.0 / np.sqrt(2 * HIDDEN))
    b_dec = jax.random.normal(k5, (1,), dtype=jnp.float32) * (1.0 / np.sqrt(2 * HIDDEN))
    return {"x": x, "edge_index": edge_index, "W_lin": W_lin, "bias": bias, "W_dec": W_dec, "b_dec": b_dec}

def reference(x, edge_index, W_lin, bias, W_dec, b_dec):
    # GCNConv forward (tutorial-style MessagePassing, aggr='add'):
    # 1) linear transform node features 1 -> 128
    h = x @ W_lin  # [N, 128]
    # 2) message passing: message(x_i, x_j) -> x_j, scatter-add onto destination nodes
    src = edge_index[0]
    dst = edge_index[1]
    msgs = jnp.take(h, src, axis=0)  # gather [E, 128]
    agg = jax.ops.segment_sum(msgs, dst, num_segments=N_NODES)  # scatter-add [N, 128]
    # 3) add bias
    hidden = agg + bias
    # 4) edge decode (dt_call=False path): concat endpoint features, linear to scalar
    h1 = jnp.take(hidden, edge_index[0], axis=0)
    h2 = jnp.take(hidden, edge_index[1], axis=0)
    hcat = jnp.concatenate([h1, h2], axis=-1)  # [E, 256]
    output = hcat @ W_dec + b_dec  # [E, 1]
    return output

if __name__ == "__main__":
    import jax
    _d = setup_inputs()
    print(jax.jit(kernel)(*tuple(_d.values())))

</pallas_src>

<mosaic_0001>
#map = affine_map<(d0, d1) -> (0)>
#map1 = affine_map<(d0, d1) -> (0, 0)>
module attributes {stable_mosaic.version = 14 : i64} {
  func.func @_sc_kernel(%arg0: i32, %arg1: i32, %arg2: memref<10000xf32, #tpu.memory_space<hbm>>, %arg3: memref<2x320000xi32, #tpu.memory_space<hbm>>, %arg4: memref<528xf32, #tpu.memory_space<hbm>>, %arg5: memref<320000xf32, #tpu.memory_space<hbm>>, %arg6: memref<10000xf32, #tpu.memory_space<vmem>>, %arg7: memref<20000xi32, #tpu.memory_space<vmem>>, %arg8: memref<20000xi32, #tpu.memory_space<vmem>>, %arg9: memref<10240xf32, #tpu.memory_space<vmem>>, %arg10: memref<16x640xf32, #tpu.memory_space<vmem>>, %arg11: memref<20000xf32, #tpu.memory_space<vmem>>, %arg12: memref<528xf32, #tpu.memory_space<vmem>>, %arg13: memref<16x10240xf32, #tpu.memory_space<vmem_shared>>, %arg14: memref<10240xf32, #tpu.memory_space<vmem_shared>>, %arg15: memref<!tpu.dma_semaphore, #tpu.memory_space<semaphore_mem>>, %arg16: memref<!tpu.dma_semaphore, #tpu.memory_space<semaphore_mem>>) attributes {dimension_semantics = [#tpu.dimension_semantics<core_parallel>, #tpu.dimension_semantics<subcore_parallel>], iteration_bounds = array<i64: 1, 16>, scalar_prefetch = 0 : i64, scratch_operands = 11 : i64, tpu.core_type = #tpu.core_type<sc_vector_subcore>, window_params = [{transform_indices = #map}, {transform_indices = #map1}, {transform_indices = #map}, {transform_indices = #map}]} {
    tpu.enqueue_dma source(%arg4 : memref<528xf32, #tpu.memory_space<hbm>>) target(%arg12 : memref<528xf32, #tpu.memory_space<vmem>>) target_semaphore(%arg16 : memref<!tpu.dma_semaphore, #tpu.memory_space<semaphore_mem>>)
    tpu.enqueue_dma source(%arg2 : memref<10000xf32, #tpu.memory_space<hbm>>) target(%arg6 : memref<10000xf32, #tpu.memory_space<vmem>>) target_semaphore(%arg15 : memref<!tpu.dma_semaphore, #tpu.memory_space<semaphore_mem>>)
    %mul3A = arith.constant 20000 : i32
    %mul3A_0 = arith.muli %arg1, %mul3A : i32
    %dma_start3A = arith.constant 0 : i32
    %dma_start3A_1 = tpu.memref_slice %arg3[%dma_start3A, %mul3A_0] : memref<2x320000xi32, #tpu.memory_space<hbm>> -> memref<1x20000xi32, #tpu.memory_space<hbm>>
    %dma_start3A_2 = tpu.memref_squeeze %dma_start3A_1 : memref<1x20000xi32, #tpu.memory_space<hbm>> -> memref<20000xi32, #tpu.memory_space<hbm>>
    %dma_start3A_3 = tpu.memref_slice %arg3[%dma_start3A, %mul3A_0] : memref<2x320000xi32, #tpu.memory_space<hbm>> -> memref<1x20000xi32, #tpu.memory_space<hbm>>
    %dma_start3A_4 = tpu.memref_squeeze %dma_start3A_3 : memref<1x20000xi32, #tpu.memory_space<hbm>> -> memref<20000xi32, #tpu.memory_space<hbm>>
    tpu.enqueue_dma source(%dma_start3A_4 : memref<20000xi32, #tpu.memory_space<hbm>>) target(%arg7 : memref<20000xi32, #tpu.memory_space<vmem>>) target_semaphore(%arg15 : memref<!tpu.dma_semaphore, #tpu.memory_space<semaphore_mem>>)
    %mul3A_5 = arith.constant 20000 : i32
    %mul3A_6 = arith.muli %arg1, %mul3A_5 : i32
    %dma_start3A_7 = arith.constant 1 : i32
    %dma_start3A_8 = tpu.memref_slice %arg3[%dma_start3A_7, %mul3A_6] : memref<2x320000xi32, #tpu.memory_space<hbm>> -> memref<1x20000xi32, #tpu.memory_space<hbm>>
    %dma_start3A_9 = tpu.memref_squeeze %dma_start3A_8 : memref<1x20000xi32, #tpu.memory_space<hbm>> -> memref<20000xi32, #tpu.memory_space<hbm>>
    %dma_start3A_10 = tpu.memref_slice %arg3[%dma_start3A_7, %mul3A_6] : memref<2x320000xi32, #tpu.memory_space<hbm>> -> memref<1x20000xi32, #tpu.memory_space<hbm>>
    %dma_start3A_11 = tpu.memref_squeeze %dma_start3A_10 : memref<1x20000xi32, #tpu.memory_space<hbm>> -> memref<20000xi32, #tpu.memory_space<hbm>>
    tpu.enqueue_dma source(%dma_start3A_11 : memref<20000xi32, #tpu.memory_space<hbm>>) target(%arg8 : memref<20000xi32, #tpu.memory_space<vmem>>) target_semaphore(%arg15 : memref<!tpu.dma_semaphore, #tpu.memory_space<semaphore_mem>>)
    %broadcast_in_dim3A = arith.constant 0.000000e+00 : f32
    %broadcast_in_dim3A_12 = vector.broadcast %broadcast_in_dim3A : f32 to vector<16xf32>
    %parallel_loop3A = arith.constant 0 : i32
    %parallel_loop3A_13 = arith.constant 10240 : i32
    %parallel_loop3A_14 = arith.constant 16 : i32
    scf.for %parallel_loop3A_663 = %parallel_loop3A to %parallel_loop3A_13 step %parallel_loop3A_14  : i32 {
      %parallel_loop3A_664 = arith.index_cast %parallel_loop3A_663 : i32 to index
      %parallel_loop3A_665 = tpu.vector_load %arg9[%parallel_loop3A_664] {strides = array<i32>} : memref<10240xf32, #tpu.memory_space<vmem>>, vector<16xf32>,
      tpu.vector_store %arg9[%parallel_loop3A_664], %broadcast_in_dim3A_12 {strides = array<i32>} : memref<10240xf32, #tpu.memory_space<vmem>>, vector<16xf32>,
    } {sc.loop_unroll_factor = 8 : i64, sc.parallel_access}
    tpu.wait_dma2 semaphore(%arg15 : memref<!tpu.dma_semaphore, #tpu.memory_space<semaphore_mem>>) src(%arg2 : memref<10000xf32, #tpu.memory_space<hbm>>) dst(%arg6 : memref<10000xf32, #tpu.memory_space<vmem>>)
    %dma_wait3A = arith.constant 0 : i32
    %dma_wait3A_15 = tpu.memref_slice %arg3[%dma_wait3A, %mul3A_0] : memref<2x320000xi32, #tpu.memory_space<hbm>> -> memref<1x20000xi32, #tpu.memory_space<hbm>>
    %dma_wait3A_16 = tpu.memref_squeeze %dma_wait3A_15 : memref<1x20000xi32, #tpu.memory_space<hbm>> -> memref<20000xi32, #tpu.memory_space<hbm>>
    %dma_wait3A_17 = tpu.memref_slice %arg3[%dma_wait3A, %mul3A_0] : memref<2x320000xi32, #tpu.memory_space<hbm>> -> memref<1x20000xi32, #tpu.memory_space<hbm>>
    %dma_wait3A_18 = tpu.memref_squeeze %dma_wait3A_17 : memref<1x20000xi32, #tpu.memory_space<hbm>> -> memref<20000xi32, #tpu.memory_space<hbm>>
    tpu.wait_dma2 semaphore(%arg15 : memref<!tpu.dma_semaphore, #tpu.memory_space<semaphore_mem>>) src(%dma_wait3A_18 : memref<20000xi32, #tpu.memory_space<hbm>>) dst(%arg7 : memref<20000xi32, #tpu.memory_space<vmem>>)
    %dma_wait3A_19 = arith.constant 1 : i32
    %dma_wait3A_20 = tpu.memref_slice %arg3[%dma_wait3A_19, %mul3A_6] : memref<2x320000xi32, #tpu.memory_space<hbm>> -> memref<1x20000xi32, #tpu.memory_space<hbm>>
    %dma_wait3A_21 = tpu.memref_squeeze %dma_wait3A_20 : memref<1x20000xi32, #tpu.memory_space<hbm>> -> memref<20000xi32, #tpu.memory_space<hbm>>
    %dma_wait3A_22 = tpu.memref_slice %arg3[%dma_wait3A_19, %mul3A_6] : memref<2x320000xi32, #tpu.memory_space<hbm>> -> memref<1x20000xi32, #tpu.memory_space<hbm>>
    %dma_wait3A_23 = tpu.memref_squeeze %dma_wait3A_22 : memref<1x20000xi32, #tpu.memory_space<hbm>> -> memref<20000xi32, #tpu.memory_space<hbm>>
    tpu.wait_dma2 semaphore(%arg15 : memref<!tpu.dma_semaphore, #tpu.memory_space<semaphore_mem>>) src(%dma_wait3A_23 : memref<20000xi32, #tpu.memory_space<hbm>>) dst(%arg8 : memref<20000xi32, #tpu.memory_space<vmem>>)
    %parallel_loop3A_24 = arith.constant 0 : i32
    %parallel_loop3A_25 = arith.constant 20000 : i32
    %parallel_loop3A_26 = arith.constant 16 : i32
    scf.for %parallel_loop3A_663 = %parallel_loop3A_24 to %parallel_loop3A_25 step %parallel_loop3A_26  : i32 {
      %parallel_loop3A_664 = arith.index_cast %parallel_loop3A_663 : i32 to index
      %parallel_loop3A_665 = tpu.vector_load %arg7[%parallel_loop3A_664] {strides = array<i32>} : memref<20000xi32, #tpu.memory_space<vmem>>, vector<16xi32>,
      %parallel_loop3A_666 = arith.index_cast %parallel_loop3A_663 : i32 to index
      %parallel_loop3A_667 = tpu.vector_load %arg8[%parallel_loop3A_666] {strides = array<i32>} : memref<20000xi32, #tpu.memory_space<vmem>>, vector<16xi32>,
      %parallel_loop3A_668 = tpu.vector_load_idx %arg6[%parallel_loop3A_665] : memref<10000xf32, #tpu.memory_space<vmem>>[vector<16xi32>], vector<16xf32>,
      tpu.vector_store_idx %arg9[%parallel_loop3A_667], %parallel_loop3A_668 {add = true} : memref<10240xf32, #tpu.memory_space<vmem>>[vector<16xi32>], vector<16xf32>,
    } {sc.loop_unroll_factor = 10 : i64, sc.parallel_access}
    "tpu.region"() ({
      %run_scoped3A = tpu.sem_alloc : memref<!tpu.dma_semaphore, #tpu.memory_space<semaphore_mem>>
      %dma_start3A_663 = arith.constant 0 : i32
      %dma_start3A_664 = tpu.memref_slice %arg13[%arg1, %dma_start3A_663] : memref<16x10240xf32, #tpu.memory_space<vmem_shared>> -> memref<1x10240xf32, #tpu.memory_space<vmem_shared>>
      %dma_start3A_665 = tpu.memref_squeeze %dma_start3A_664 : memref<1x10240xf32, #tpu.memory_space<vmem_shared>> -> memref<10240xf32, #tpu.memory_space<vmem_shared>>
      %dma_start3A_666 = arith.constant 0 : i32
      %dma_start3A_667 = tpu.memref_slice %arg13[%arg1, %dma_start3A_666] : memref<16x10240xf32, #tpu.memory_space<vmem_shared>> -> memref<1x10240xf32, #tpu.memory_space<vmem_shared>>
      %dma_start3A_668 = tpu.memref_squeeze %dma_start3A_667 : memref<1x10240xf32, #tpu.memory_space<vmem_shared>> -> memref<10240xf32, #tpu.memory_space<vmem_shared>>
      tpu.enqueue_dma source(%arg9 : memref<10240xf32, #tpu.memory_space<vmem>>) target(%dma_start3A_668 : memref<10240xf32, #tpu.memory_space<vmem_shared>>) target_semaphore(%run_scoped3A : memref<!tpu.dma_semaphore, #tpu.memory_space<semaphore_mem>>)
      %dma_wait3A_669 = arith.constant 0 : i32
      %dma_wait3A_670 = tpu.memref_slice %arg13[%arg1, %dma_wait3A_669] : memref<16x10240xf32, #tpu.memory_space<vmem_shared>> -> memref<1x10240xf32, #tpu.memory_space<vmem_shared>>
      %dma_wait3A_671 = tpu.memref_squeeze %dma_wait3A_670 : memref<1x10240xf32, #tpu.memory_space<vmem_shared>> -> memref<10240xf32, #tpu.memory_space<vmem_shared>>
      %dma_wait3A_672 = arith.constant 0 : i32
      %dma_wait3A_673 = tpu.memref_slice %arg13[%arg1, %dma_wait3A_672] : memref<16x10240xf32, #tpu.memory_space<vmem_shared>> -> memref<1x10240xf32, #tpu.memory_space<vmem_shared>>
      %dma_wait3A_674 = tpu.memref_squeeze %dma_wait3A_673 : memref<1x10240xf32, #tpu.memory_space<vmem_shared>> -> memref<10240xf32, #tpu.memory_space<vmem_shared>>
      tpu.wait_dma2 semaphore(%run_scoped3A : memref<!tpu.dma_semaphore, #tpu.memory_space<semaphore_mem>>) src(%arg9 : memref<10240xf32, #tpu.memory_space<vmem>>) dst(%dma_wait3A_674 : memref<10240xf32, #tpu.memory_space<vmem_shared>>)
      tpu.yield
    }) : () -> ()
    %barrier3A = arith.constant 0 : index
    tpu.barrier barrier_id(%barrier3A)
    %mul3A_27 = arith.constant 640 : i32
    %mul3A_28 = arith.muli %arg1, %mul3A_27 : i32
    %dma_start3A_29 = arith.constant 0 : i32
    %dma_start3A_30 = arith.constant 0 : i32
    %dma_start3A_31 = arith.constant 0 : i32
    %dma_start3A_32 = tpu.memref_slice %arg10[%dma_start3A_30, %dma_start3A_31] : memref<16x640xf32, #tpu.memory_space<vmem>> -> memref<1x640xf32, #tpu.memory_space<vmem>>
    %dma_start3A_33 = tpu.memref_squeeze %dma_start3A_32 : memref<1x640xf32, #tpu.memory_space<vmem>> -> memref<640xf32, #tpu.memory_space<vmem>>
    %dma_start3A_34 = tpu.memref_slice %arg13[%dma_start3A_29, %mul3A_28] : memref<16x10240xf32, #tpu.memory_space<vmem_shared>> -> memref<1x640xf32, #tpu.memory_space<vmem_shared>>
    %dma_start3A_35 = tpu.memref_squeeze %dma_start3A_34 : memref<1x640xf32, #tpu.memory_space<vmem_shared>> -> memref<640xf32, #tpu.memory_space<vmem_shared>>
    %dma_start3A_36 = arith.constant 0 : i32
    %dma_start3A_37 = tpu.memref_slice %arg10[%dma_start3A_30, %dma_start3A_36] : memref<16x640xf32, #tpu.memory_space<vmem>> -> memref<1x640xf32, #tpu.memory_space<vmem>>
    %dma_start3A_38 = tpu.memref_squeeze %dma_start3A_37 : memref<1x640xf32, #tpu.memory_space<vmem>> -> memref<640xf32, #tpu.memory_space<vmem>>
    %dma_start3A_39 = tpu.memref_slice %arg13[%dma_start3A_29, %mul3A_28] : memref<16x10240xf32, #tpu.memory_space<vmem_shared>> -> memref<1x640xf32, #tpu.memory_space<vmem_shared>>
    %dma_start3A_40 = tpu.memref_squeeze %dma_start3A_39 : memref<1x640xf32, #tpu.memory_space<vmem_shared>> -> memref<640xf32, #tpu.memory_space<vmem_shared>>
    tpu.enqueue_dma source(%dma_start3A_40 : memref<640xf32, #tpu.memory_space<vmem_shared>>) target(%dma_start3A_38 : memref<640xf32, #tpu.memory_space<vmem>>) target_semaphore(%arg15 : memref<!tpu.dma_semaphore, #tpu.memory_space<semaphore_mem>>)
    %mul3A_41 = arith.constant 640 : i32
    %mul3A_42 = arith.muli %arg1, %mul3A_41 : i32
    %dma_start3A_43 = arith.constant 1 : i32
    %dma_start3A_44 = arith.constant 1 : i32
    %dma_start3A_45 = arith.constant 0 : i32
    %dma_start3A_46 = tpu.memref_slice %arg10[%dma_start3A_44, %dma_start3A_45] : memref<16x640xf32, #tpu.memory_space<vmem>> -> memref<1x640xf32, #tpu.memory_space<vmem>>
    %dma_start3A_47 = tpu.memref_squeeze %dma_start3A_46 : memref<1x640xf32, #tpu.memory_space<vmem>> -> memref<640xf32, #tpu.memory_space<vmem>>
    %dma_start3A_48 = tpu.memref_slice %arg13[%dma_start3A_43, %mul3A_42] : memref<16x10240xf32, #tpu.memory_space<vmem_shared>> -> memref<1x640xf32, #tpu.memory_space<vmem_shared>>
    %dma_start3A_49 = tpu.memref_squeeze %dma_start3A_48 : memref<1x640xf32, #tpu.memory_space<vmem_shared>> -> memref<640xf32, #tpu.memory_space<vmem_shared>>
    %dma_start3A_50 = arith.constant 0 : i32
    %dma_start3A_51 = tpu.memref_slice %arg10[%dma_start3A_44, %dma_start3A_50] : memref<16x640xf32, #tpu.memory_space<vmem>> -> memref<1x640xf32, #tpu.memory_space<vmem>>
    %dma_start3A_52 = tpu.memref_squeeze %dma_start3A_51 : memref<1x640xf32, #tpu.memory_space<vmem>> -> memref<640xf32, #tpu.memory_space<vmem>>
    %dma_start3A_53 = tpu.memref_slice %arg13[%dma_start3A_43, %mul3A_42] : memref<16x10240xf32, #tpu.memory_space<vmem_shared>> -> memref<1x640xf32, #tpu.memory_space<vmem_shared>>
    %dma_start3A_54 = tpu.memref_squeeze %dma_start3A_53 : memref<1x640xf32, #tpu.memory_space<vmem_shared>> -> memref<640xf32, #tpu.memory_space<vmem_shared>>
    tpu.enqueue_dma source(%dma_start3A_54 : memref<640xf32, #tpu.memory_space<vmem_shared>>) target(%dma_start3A_52 : memref<640xf32, #tpu.memory_space<vmem>>) target_semaphore(%arg15 : memref<!tpu.dma_semaphore, #tpu.memory_space<semaphore_mem>>)
    %mul3A_55 = arith.constant 640 : i32
    %mul3A_56 = arith.muli %arg1, %mul3A_55 : i32
    %dma_start3A_57 = arith.constant 2 : i32
    %dma_start3A_58 = arith.constant 2 : i32
    %dma_start3A_59 = arith.constant 0 : i32
    %dma_start3A_60 = tpu.memref_slice %arg10[%dma_start3A_58, %dma_start3A_59] : memref<16x640xf32, #tpu.memory_space<vmem>> -> memref<1x640xf32, #tpu.memory_space<vmem>>
    %dma_start3A_61 = tpu.memref_squeeze %dma_start3A_60 : memref<1x640xf32, #tpu.memory_space<vmem>> -> memref<640xf32, #tpu.memory_space<vmem>>
    %dma_start3A_62 = tpu.memref_slice %arg13[%dma_start3A_57, %mul3A_56] : memref<16x10240xf32, #tpu.memory_space<vmem_shared>> -> memref<1x640xf32, #tpu.memory_space<vmem_shared>>
    %dma_start3A_63 = tpu.memref_squeeze %dma_start3A_62 : memref<1x640xf32, #tpu.memory_space<vmem_shared>> -> memref<640xf32, #tpu.memory_space<vmem_shared>>
    %dma_start3A_64 = arith.constant 0 : i32
    %dma_start3A_65 = tpu.memref_slice %arg10[%dma_start3A_58, %dma_start3A_64] : memref<16x640xf32, #tpu.memory_space<vmem>> -> memref<1x640xf32, #tpu.memory_space<vmem>>
    %dma_start3A_66 = tpu.memref_squeeze %dma_start3A_65 : memref<1x640xf32, #tpu.memory_space<vmem>> -> memref<640xf32, #tpu.memory_space<vmem>>
    %dma_start3A_67 = tpu.memref_slice %arg13[%dma_start3A_57, %mul3A_56] : memref<16x10240xf32, #tpu.memory_space<vmem_shared>> -> memref<1x640xf32, #tpu.memory_space<vmem_shared>>
    %dma_start3A_68 = tpu.memref_squeeze %dma_start3A_67 : memref<1x640xf32, #tpu.memory_space<vmem_shared>> -> memref<640xf32, #tpu.memory_space<vmem_shared>>
    tpu.enqueue_dma source(%dma_start3A_68 : memref<640xf32, #tpu.memory_space<vmem_shared>>) target(%dma_start3A_66 : memref<640xf32, #tpu.memory_space<vmem>>) target_semaphore(%arg15 : memref<!tpu.dma_semaphore, #tpu.memory_space<semaphore_mem>>)
    %mul3A_69 = arith.constant 640 : i32
    %mul3A_70 = arith.muli %arg1, %mul3A_69 : i32
    %dma_start3A_71 = arith.constant 3 : i32
    %dma_start3A_72 = arith.constant 3 : i32
    %dma_start3A_73 = arith.constant 0 : i32
    %dma_start3A_74 = tpu.memref_slice %arg10[%dma_start3A_72, %dma_start3A_73] : memref<16x640xf32, #tpu.memory_space<vmem>> -> memref<1x640xf32, #tpu.memory_space<vmem>>
    %dma_start3A_75 = tpu.memref_squeeze %dma_start3A_74 : memref<1x640xf32, #tpu.memory_space<vmem>> -> memref<640xf32, #tpu.memory_space<vmem>>
    %dma_start3A_76 = tpu.memref_slice %arg13[%dma_start3A_71, %mul3A_70] : memref<16x10240xf32, #tpu.memory_space<vmem_shared>> -> memref<1x640xf32, #tpu.memory_space<vmem_shared>>
    %dma_start3A_77 = tpu.memref_squeeze %dma_start3A_76 : memref<1x640xf32, #tpu.memory_space<vmem_shared>> -> memref<640xf32, #tpu.memory_space<vmem_shared>>
    %dma_start3A_78 = arith.constant 0 : i32
    %dma_start3A_79 = tpu.memref_slice %arg10[%dma_start3A_72, %dma_start3A_78] : memref<16x640xf32, #tpu.memory_space<vmem>> -> memref<1x640xf32, #tpu.memory_space<vmem>>
    %dma_start3A_80 = tpu.memref_squeeze %dma_start3A_79 : memref<1x640xf32, #tpu.memory_space<vmem>> -> memref<640xf32, #tpu.memory_space<vmem>>
    %dma_start3A_81 = tpu.memref_slice %arg13[%dma_start3A_71, %mul3A_70] : memref<16x10240xf32, #tpu.memory_space<vmem_shared>> -> memref<1x640xf32, #tpu.memory_space<vmem_shared>>
    %dma_start3A_82 = tpu.memref_squeeze %dma_start3A_81 : memref<1x640xf32, #tpu.memory_space<vmem_shared>> -> memref<640xf32, #tpu.memory_space<vmem_shared>>
    tpu.enqueue_dma source(%dma_start3A_82 : memref<640xf32, #tpu.memory_space<vmem_shared>>) target(%dma_start3A_80 : memref<640xf32, #tpu.memory_space<vmem>>) target_semaphore(%arg15 : memref<!tpu.dma_semaphore, #tpu.memory_space<semaphore_mem>>)
    %mul3A_83 = arith.constant 640 : i32
    %mul3A_84 = arith.muli %arg1, %mul3A_83 : i32
    %dma_start3A_85 = arith.constant 4 : i32
    %dma_start3A_86 = arith.constant 4 : i32
    %dma_start3A_87 = arith.constant 0 : i32
    %dma_start3A_88 = tpu.memref_slice %arg10[%dma_start3A_86, %dma_start3A_87] : memref<16x640xf32, #tpu.memory_space<vmem>> -> memref<1x640xf32, #tpu.memory_space<vmem>>
    %dma_start3A_89 = tpu.memref_squeeze %dma_start3A_88 : memref<1x640xf32, #tpu.memory_space<vmem>> -> memref<640xf32, #tpu.memory_space<vmem>>
    %dma_start3A_90 = tpu.memref_slice %arg13[%dma_start3A_85, %mul3A_84] : memref<16x10240xf32, #tpu.memory_space<vmem_shared>> -> memref<1x640xf32, #tpu.memory_space<vmem_shared>>
    %dma_start3A_91 = tpu.memref_squeeze %dma_start3A_90 : memref<1x640xf32, #tpu.memory_space<vmem_shared>> -> memref<640xf32, #tpu.memory_space<vmem_shared>>
    %dma_start3A_92 = arith.constant 0 : i32
    %dma_start3A_93 = tpu.memref_slice %arg10[%dma_start3A_86, %dma_start3A_92] : memref<16x640xf32, #tpu.memory_space<vmem>> -> memref<1x640xf32, #tpu.memory_space<vmem>>
    %dma_start3A_94 = tpu.memref_squeeze %dma_start3A_93 : memref<1x640xf32, #tpu.memory_space<vmem>> -> memref<640xf32, #tpu.memory_space<vmem>>
    %dma_start3A_95 = tpu.memref_slice %arg13[%dma_start3A_85, %mul3A_84] : memref<16x10240xf32, #tpu.memory_space<vmem_shared>> -> memref<1x640xf32, #tpu.memory_space<vmem_shared>>
    %dma_start3A_96 = tpu.memref_squeeze %dma_start3A_95 : memref<1x640xf32, #tpu.memory_space<vmem_shared>> -> memref<640xf32, #tpu.memory_space<vmem_shared>>
    tpu.enqueue_dma source(%dma_start3A_96 : memref<640xf32, #tpu.memory_space<vmem_shared>>) target(%dma_start3A_94 : memref<640xf32, #tpu.memory_space<vmem>>) target_semaphore(%arg15 : memref<!tpu.dma_semaphore, #tpu.memory_space<semaphore_mem>>)
    %mul3A_97 = arith.constant 640 : i32
    %mul3A_98 = arith.muli %arg1, %mul3A_97 : i32
    %dma_start3A_99 = arith.constant 5 : i32
    %dma_start3A_100 = arith.constant 5 : i32
    %dma_start3A_101 = arith.constant 0 : i32
    %dma_start3A_102 = tpu.memref_slice %arg10[%dma_start3A_100, %dma_start3A_101] : memref<16x640xf32, #tpu.memory_space<vmem>> -> memref<1x640xf32, #tpu.memory_space<vmem>>
    %dma_start3A_103 = tpu.memref_squeeze %dma_start3A_102 : memref<1x640xf32, #tpu.memory_space<vmem>> -> memref<640xf32, #tpu.memory_space<vmem>>
    %dma_start3A_104 = tpu.memref_slice %arg13[%dma_start3A_99, %mul3A_98] : memref<16x10240xf32, #tpu.memory_space<vmem_shared>> -> memref<1x640xf32, #tpu.memory_space<vmem_shared>>
    %dma_start3A_105 = tpu.memref_squeeze %dma_start3A_104 : memref<1x640xf32, #tpu.memory_space<vmem_shared>> -> memref<640xf32, #tpu.memory_space<vmem_shared>>
    %dma_start3A_106 = arith.constant 0 : i32
    %dma_start3A_107 = tpu.memref_slice %arg10[%dma_start3A_100, %dma_start3A_106] : memref<16x640xf32, #tpu.memory_space<vmem>> -> memref<1x640xf32, #tpu.memory_space<vmem>>
    %dma_start3A_108 = tpu.memref_squeeze %dma_start3A_107 : memref<1x640xf32, #tpu.memory_space<vmem>> -> memref<640xf32, #tpu.memory_space<vmem>>
    %dma_start3A_109 = tpu.memref_slice %arg13[%dma_start3A_99, %mul3A_98] : memref<16x10240xf32, #tpu.memory_space<vmem_shared>> -> memref<1x640xf32, #tpu.memory_space<vmem_shared>>
    %dma_start3A_110 = tpu.memref_squeeze %dma_start3A_109 : memref<1x640xf32, #tpu.memory_space<vmem_shared>> -> memref<640xf32, #tpu.memory_space<vmem_shared>>
    tpu.enqueue_dma source(%dma_start3A_110 : memref<640xf32, #tpu.memory_space<vmem_shared>>) target(%dma_start3A_108 : memref<640xf32, #tpu.memory_space<vmem>>) target_semaphore(%arg15 : memref<!tpu.dma_semaphore, #tpu.memory_space<semaphore_mem>>)
    %mul3A_111 = arith.constant 640 : i32
    %mul3A_112 = arith.muli %arg1, %mul3A_111 : i32
    %dma_start3A_113 = arith.constant 6 : i32
    %dma_start3A_114 = arith.constant 6 : i32
    %dma_start3A_115 = arith.constant 0 : i32
    %dma_start3A_116 = tpu.memref_slice %arg10[%dma_start3A_114, %dma_start3A_115] : memref<16x640xf32, #tpu.memory_space<vmem>> -> memref<1x640xf32, #tpu.memory_space<vmem>>
    %dma_start3A_117 = tpu.memref_squeeze %dma_start3A_116 : memref<1x640xf32, #tpu.memory_space<vmem>> -> memref<640xf32, #tpu.memory_space<vmem>>
    %dma_start3A_118 = tpu.memref_slice %arg13[%dma_start3A_113, %mul3A_112] : memref<16x10240xf32, #tpu.memory_space<vmem_shared>> -> memref<1x640xf32, #tpu.memory_space<vmem_shared>>
    %dma_start3A_119 = tpu.memref_squeeze %dma_start3A_118 : memref<1x640xf32, #tpu.memory_space<vmem_shared>> -> memref<640xf32, #tpu.memory_space<vmem_shared>>
    %dma_start3A_120 = arith.constant 0 : i32
    %dma_start3A_121 = tpu.memref_slice %arg10[%dma_start3A_114, %dma_start3A_120] : memref<16x640xf32, #tpu.memory_space<vmem>> -> memref<1x640xf32, #tpu.memory_space<vmem>>
    %dma_start3A_122 = tpu.memref_squeeze %dma_start3A_121 : memref<1x640xf32, #tpu.memory_space<vmem>> -> memref<640xf32, #tpu.memory_space<vmem>>
    %dma_start3A_123 = tpu.memref_slice %arg13[%dma_start3A_113, %mul3A_112] : memref<16x10240xf32, #tpu.memory_space<vmem_shared>> -> memref<1x640xf32, #tpu.memory_space<vmem_shared>>
    %dma_start3A_124 = tpu.memref_squeeze %dma_start3A_123 : memref<1x640xf32, #tpu.memory_space<vmem_shared>> -> memref<640xf32, #tpu.memory_space<vmem_shared>>
    tpu.enqueue_dma source(%dma_start3A_124 : memref<640xf32, #tpu.memory_space<vmem_shared>>) target(%dma_start3A_122 : memref<640xf32, #tpu.memory_space<vmem>>) target_semaphore(%arg15 : memref<!tpu.dma_semaphore, #tpu.memory_space<semaphore_mem>>)
    %mul3A_125 = arith.constant 640 : i32
    %mul3A_126 = arith.muli %arg1, %mul3A_125 : i32
    %dma_start3A_127 = arith.constant 7 : i32
    %dma_start3A_128 = arith.constant 7 : i32
    %dma_start3A_129 = arith.constant 0 : i32
    %dma_start3A_130 = tpu.memref_slice %arg10[%dma_start3A_128, %dma_start3A_129] : memref<16x640xf32, #tpu.memory_space<vmem>> -> memref<1x640xf32, #tpu.memory_space<vmem>>
    %dma_start3A_131 = tpu.memref_squeeze %dma_start3A_130 : memref<1x640xf32, #tpu.memory_space<vmem>> -> memref<640xf32, #tpu.memory_space<vmem>>
    %dma_start3A_132 = tpu.memref_slice %arg13[%dma_start3A_127, %mul3A_126] : memref<16x10240xf32, #tpu.memory_space<vmem_shared>> -> memref<1x640xf32, #tpu.memory_space<vmem_shared>>
    %dma_start3A_133 = tpu.memref_squeeze %dma_start3A_132 : memref<1x640xf32, #tpu.memory_space<vmem_shared>> -> memref<640xf32, #tpu.memory_space<vmem_shared>>
    %dma_start3A_134 = arith.constant 0 : i32
    %dma_start3A_135 = tpu.memref_slice %arg10[%dma_start3A_128, %dma_start3A_134] : memref<16x640xf32, #tpu.memory_space<vmem>> -> memref<1x640xf32, #tpu.memory_space<vmem>>
    %dma_start3A_136 = tpu.memref_squeeze %dma_start3A_135 : memref<1x640xf32, #tpu.memory_space<vmem>> -> memref<640xf32, #tpu.memory_space<vmem>>
    %dma_start3A_137 = tpu.memref_slice %arg13[%dma_start3A_127, %mul3A_126] : memref<16x10240xf32, #tpu.memory_space<vmem_shared>> -> memref<1x640xf32, #tpu.memory_space<vmem_shared>>
    %dma_start3A_138 = tpu.memref_squeeze %dma_start3A_137 : memref<1x640xf32, #tpu.memory_space<vmem_shared>> -> memref<640xf32, #tpu.memory_space<vmem_shared>>
    tpu.enqueue_dma source(%dma_start3A_138 : memref<640xf32, #tpu.memory_space<vmem_shared>>) target(%dma_start3A_136 : memref<640xf32, #tpu.memory_space<vmem>>) target_semaphore(%arg15 : memref<!tpu.dma_semaphore, #tpu.memory_space<semaphore_mem>>)
    %mul3A_139 = arith.constant 640 : i32
    %mul3A_140 = arith.muli %arg1, %mul3A_139 : i32
    %dma_start3A_141 = arith.constant 8 : i32
    %dma_start3A_142 = arith.constant 8 : i32
    %dma_start3A_143 = arith.constant 0 : i32
    %dma_start3A_144 = tpu.memref_slice %arg10[%dma_start3A_142, %dma_start3A_143] : memref<16x640xf32, #tpu.memory_space<vmem>> -> memref<1x640xf32, #tpu.memory_space<vmem>>
    %dma_start3A_145 = tpu.memref_squeeze %dma_start3A_144 : memref<1x640xf32, #tpu.memory_space<vmem>> -> memref<640xf32, #tpu.memory_space<vmem>>
    %dma_start3A_146 = tpu.memref_slice %arg13[%dma_start3A_141, %mul3A_140] : memref<16x10240xf32, #tpu.memory_space<vmem_shared>> -> memref<1x640xf32, #tpu.memory_space<vmem_shared>>
    %dma_start3A_147 = tpu.memref_squeeze %dma_start3A_146 : memref<1x640xf32, #tpu.memory_space<vmem_shared>> -> memref<640xf32, #tpu.memory_space<vmem_shared>>
    %dma_start3A_148 = arith.constant 0 : i32
    %dma_start3A_149 = tpu.memref_slice %arg10[%dma_start3A_142, %dma_start3A_148] : memref<16x640xf32, #tpu.memory_space<vmem>> -> memref<1x640xf32, #tpu.memory_space<vmem>>
    %dma_start3A_150 = tpu.memref_squeeze %dma_start3A_149 : memref<1x640xf32, #tpu.memory_space<vmem>> -> memref<640xf32, #tpu.memory_space<vmem>>
    %dma_start3A_151 = tpu.memref_slice %arg13[%dma_start3A_141, %mul3A_140] : memref<16x10240xf32, #tpu.memory_space<vmem_shared>> -> memref<1x640xf32, #tpu.memory_space<vmem_shared>>
    %dma_start3A_152 = tpu.memref_squeeze %dma_start3A_151 : memref<1x640xf32, #tpu.memory_space<vmem_shared>> -> memref<640xf32, #tpu.memory_space<vmem_shared>>
    tpu.enqueue_dma source(%dma_start3A_152 : memref<640xf32, #tpu.memory_space<vmem_shared>>) target(%dma_start3A_150 : memref<640xf32, #tpu.memory_space<vmem>>) target_semaphore(%arg15 : memref<!tpu.dma_semaphore, #tpu.memory_space<semaphore_mem>>)
    %mul3A_153 = arith.constant 640 : i32
    %mul3A_154 = arith.muli %arg1, %mul3A_153 : i32
    %dma_start3A_155 = arith.constant 9 : i32
    %dma_start3A_156 = arith.constant 9 : i32
    %dma_start3A_157 = arith.constant 0 : i32
    %dma_start3A_158 = tpu.memref_slice %arg10[%dma_start3A_156, %dma_start3A_157] : memref<16x640xf32, #tpu.memory_space<vmem>> -> memref<1x640xf32, #tpu.memory_space<vmem>>
    %dma_start3A_159 = tpu.memref_squeeze %dma_start3A_158 : memref<1x640xf32, #tpu.memory_space<vmem>> -> memref<640xf32, #tpu.memory_space<vmem>>
    %dma_start3A_160 = tpu.memref_slice %arg13[%dma_start3A_155, %mul3A_154] : memref<16x10240xf32, #tpu.memory_space<vmem_shared>> -> memref<1x640xf32, #tpu.memory_space<vmem_shared>>
    %dma_start3A_161 = tpu.memref_squeeze %dma_start3A_160 : memref<1x640xf32, #tpu.memory_space<vmem_shared>> -> memref<640xf32, #tpu.memory_space<vmem_shared>>
    %dma_start3A_162 = arith.constant 0 : i32
    %dma_start3A_163 = tpu.memref_slice %arg10[%dma_start3A_156, %dma_start3A_162] : memref<16x640xf32, #tpu.memory_space<vmem>> -> memref<1x640xf32, #tpu.memory_space<vmem>>
    %dma_start3A_164 = tpu.memref_squeeze %dma_start3A_163 : memref<1x640xf32, #tpu.memory_space<vmem>> -> memref<640xf32, #tpu.memory_space<vmem>>
    %dma_start3A_165 = tpu.memref_slice %arg13[%dma_start3A_155, %mul3A_154] : memref<16x10240xf32, #tpu.memory_space<vmem_shared>> -> memref<1x640xf32, #tpu.memory_space<vmem_shared>>
    %dma_start3A_166 = tpu.memref_squeeze %dma_start3A_165 : memref<1x640xf32, #tpu.memory_space<vmem_shared>> -> memref<640xf32, #tpu.memory_space<vmem_shared>>
    tpu.enqueue_dma source(%dma_start3A_166 : memref<640xf32, #tpu.memory_space<vmem_shared>>) target(%dma_start3A_164 : memref<640xf32, #tpu.memory_space<vmem>>) target_semaphore(%arg15 : memref<!tpu.dma_semaphore, #tpu.memory_space<semaphore_mem>>)
    %mul3A_167 = arith.constant 640 : i32
    %mul3A_168 = arith.muli %arg1, %mul3A_167 : i32
    %dma_start3A_169 = arith.constant 10 : i32
    %dma_start3A_170 = arith.constant 10 : i32
    %dma_start3A_171 = arith.constant 0 : i32
    %dma_start3A_172 = tpu.memref_slice %arg10[%dma_start3A_170, %dma_start3A_171] : memref<16x640xf32, #tpu.memory_space<vmem>> -> memref<1x640xf32, #tpu.memory_space<vmem>>
    %dma_start3A_173 = tpu.memref_squeeze %dma_start3A_172 : memref<1x640xf32, #tpu.memory_space<vmem>> -> memref<640xf32, #tpu.memory_space<vmem>>
    %dma_start3A_174 = tpu.memref_slice %arg13[%dma_start3A_169, %mul3A_168] : memref<16x10240xf32, #tpu.memory_space<vmem_shared>> -> memref<1x640xf32, #tpu.memory_space<vmem_shared>>
    %dma_start3A_175 = tpu.memref_squeeze %dma_start3A_174 : memref<1x640xf32, #tpu.memory_space<vmem_shared>> -> memref<640xf32, #tpu.memory_space<vmem_shared>>
    %dma_start3A_176 = arith.constant 0 : i32
    %dma_start3A_177 = tpu.memref_slice %arg10[%dma_start3A_170, %dma_start3A_176] : memref<16x640xf32, #tpu.memory_space<vmem>> -> memref<1x640xf32, #tpu.memory_space<vmem>>
    %dma_start3A_178 = tpu.memref_squeeze %dma_start3A_177 : memref<1x640xf32, #tpu.memory_space<vmem>> -> memref<640xf32, #tpu.memory_space<vmem>>
    %dma_start3A_179 = tpu.memref_slice %arg13[%dma_start3A_169, %mul3A_168] : memref<16x10240xf32, #tpu.memory_space<vmem_shared>> -> memref<1x640xf32, #tpu.memory_space<vmem_shared>>
    %dma_start3A_180 = tpu.memref_squeeze %dma_start3A_179 : memref<1x640xf32, #tpu.memory_space<vmem_shared>> -> memref<640xf32, #tpu.memory_space<vmem_shared>>
    tpu.enqueue_dma source(%dma_start3A_180 : memref<640xf32, #tpu.memory_space<vmem_shared>>) target(%dma_start3A_178 : memref<640xf32, #tpu.memory_space<vmem>>) target_semaphore(%arg15 : memref<!tpu.dma_semaphore, #tpu.memory_space<semaphore_mem>>)
    %mul3A_181 = arith.constant 640 : i32
    %mul3A_182 = arith.muli %arg1, %mul3A_181 : i32
    %dma_start3A_183 = arith.constant 11 : i32
    %dma_start3A_184 = arith.constant 11 : i32
    %dma_start3A_185 = arith.constant 0 : i32
    %dma_start3A_186 = tpu.memref_slice %arg10[%dma_start3A_184, %dma_start3A_185] : memref<16x640xf32, #tpu.memory_space<vmem>> -> memref<1x640xf32, #tpu.memory_space<vmem>>
    %dma_start3A_187 = tpu.memref_squeeze %dma_start3A_186 : memref<1x640xf32, #tpu.memory_space<vmem>> -> memref<640xf32, #tpu.memory_space<vmem>>
    %dma_start3A_188 = tpu.memref_slice %arg13[%dma_start3A_183, %mul3A_182] : memref<16x10240xf32, #tpu.memory_space<vmem_shared>> -> memref<1x640xf32, #tpu.memory_space<vmem_shared>>
    %dma_start3A_189 = tpu.memref_squeeze %dma_start3A_188 : memref<1x640xf32, #tpu.memory_space<vmem_shared>> -> memref<640xf32, #tpu.memory_space<vmem_shared>>
    %dma_start3A_190 = arith.constant 0 : i32
    %dma_start3A_191 = tpu.memref_slice %arg10[%dma_start3A_184, %dma_start3A_190] : memref<16x640xf32, #tpu.memory_space<vmem>> -> memref<1x640xf32, #tpu.memory_space<vmem>>
    %dma_start3A_192 = tpu.memref_squeeze %dma_start3A_191 : memref<1x640xf32, #tpu.memory_space<vmem>> -> memref<640xf32, #tpu.memory_space<vmem>>
    %dma_start3A_193 = tpu.memref_slice %arg13[%dma_start3A_183, %mul3A_182] : memref<16x10240xf32, #tpu.memory_space<vmem_shared>> -> memref<1x640xf32, #tpu.memory_space<vmem_shared>>
    %dma_start3A_194 = tpu.memref_squeeze %dma_start3A_193 : memref<1x640xf32, #tpu.memory_space<vmem_shared>> -> memref<640xf32, #tpu.memory_space<vmem_shared>>
    tpu.enqueue_dma source(%dma_start3A_194 : memref<640xf32, #tpu.memory_space<vmem_shared>>) target(%dma_start3A_192 : memref<640xf32, #tpu.memory_space<vmem>>) target_semaphore(%arg15 : memref<!tpu.dma_semaphore, #tpu.memory_space<semaphore_mem>>)
    %mul3A_195 = arith.constant 640 : i32
    %mul3A_196 = arith.muli %arg1, %mul3A_195 : i32
    %dma_start3A_197 = arith.constant 12 : i32
    %dma_start3A_198 = arith.constant 12 : i32
    %dma_start3A_199 = arith.constant 0 : i32
    %dma_start3A_200 = tpu.memref_slice %arg10[%dma_start3A_198, %dma_start3A_199] : memref<16x640xf32, #tpu.memory_space<vmem>> -> memref<1x640xf32, #tpu.memory_space<vmem>>
    %dma_start3A_201 = tpu.memref_squeeze %dma_start3A_200 : memref<1x640xf32, #tpu.memory_space<vmem>> -> memref<640xf32, #tpu.memory_space<vmem>>
    %dma_start3A_202 = tpu.memref_slice %arg13[%dma_start3A_197, %mul3A_196] : memref<16x10240xf32, #tpu.memory_space<vmem_shared>> -> memref<1x640xf32, #tpu.memory_space<vmem_shared>>
    %dma_start3A_203 = tpu.memref_squeeze %dma_start3A_202 : memref<1x640xf32, #tpu.memory_space<vmem_shared>> -> memref<640xf32, #tpu.memory_space<vmem_shared>>
    %dma_start3A_204 = arith.constant 0 : i32
    %dma_start3A_205 = tpu.memref_slice %arg10[%dma_start3A_198, %dma_start3A_204] : memref<16x640xf32, #tpu.memory_space<vmem>> -> memref<1x640xf32, #tpu.memory_space<vmem>>
    %dma_start3A_206 = tpu.memref_squeeze %dma_start3A_205 : memref<1x640xf32, #tpu.memory_space<vmem>> -> memref<640xf32, #tpu.memory_space<vmem>>
    %dma_start3A_207 = tpu.memref_slice %arg13[%dma_start3A_197, %mul3A_196] : memref<16x10240xf32, #tpu.memory_space<vmem_shared>> -> memref<1x640xf32, #tpu.memory_space<vmem_shared>>
    %dma_start3A_208 = tpu.memref_squeeze %dma_start3A_207 : memref<1x640xf32, #tpu.memory_space<vmem_shared>> -> memref<640xf32, #tpu.memory_space<vmem_shared>>
    tpu.enqueue_dma source(%dma_start3A_208 : memref<640xf32, #tpu.memory_space<vmem_shared>>) target(%dma_start3A_206 : memref<640xf32, #tpu.memory_space<vmem>>) target_semaphore(%arg15 : memref<!tpu.dma_semaphore, #tpu.memory_space<semaphore_mem>>)
    %mul3A_209 = arith.constant 640 : i32
    %mul3A_210 = arith.muli %arg1, %mul3A_209 : i32
    %dma_start3A_211 = arith.constant 13 : i32
    %dma_start3A_212 = arith.constant 13 : i32
    %dma_start3A_213 = arith.constant 0 : i32
    %dma_start3A_214 = tpu.memref_slice %arg10[%dma_start3A_212, %dma_start3A_213] : memref<16x640xf32, #tpu.memory_space<vmem>> -> memref<1x640xf32, #tpu.memory_space<vmem>>
    %dma_start3A_215 = tpu.memref_squeeze %dma_start3A_214 : memref<1x640xf32, #tpu.memory_space<vmem>> -> memref<640xf32, #tpu.memory_space<vmem>>
    %dma_start3A_216 = tpu.memref_slice %arg13[%dma_start3A_211, %mul3A_210] : memref<16x10240xf32, #tpu.memory_space<vmem_shared>> -> memref<1x640xf32, #tpu.memory_space<vmem_shared>>
    %dma_start3A_217 = tpu.memref_squeeze %dma_start3A_216 : memref<1x640xf32, #tpu.memory_space<vmem_shared>> -> memref<640xf32, #tpu.memory_space<vmem_shared>>
    %dma_start3A_218 = arith.constant 0 : i32
    %dma_start3A_219 = tpu.memref_slice %arg10[%dma_start3A_212, %dma_start3A_218] : memref<16x640xf32, #tpu.memory_space<vmem>> -> memref<1x640xf32, #tpu.memory_space<vmem>>
    %dma_start3A_220 = tpu.memref_squeeze %dma_start3A_219 : memref<1x640xf32, #tpu.memory_space<vmem>> -> memref<640xf32, #tpu.memory_space<vmem>>
    %dma_start3A_221 = tpu.memref_slice %arg13[%dma_start3A_211, %mul3A_210] : memref<16x10240xf32, #tpu.memory_space<vmem_shared>> -> memref<1x640xf32, #tpu.memory_space<vmem_shared>>
    %dma_start3A_222 = tpu.memref_squeeze %dma_start3A_221 : memref<1x640xf32, #tpu.memory_space<vmem_shared>> -> memref<640xf32, #tpu.memory_space<vmem_shared>>
    tpu.enqueue_dma source(%dma_start3A_222 : memref<640xf32, #tpu.memory_space<vmem_shared>>) target(%dma_start3A_220 : memref<640xf32, #tpu.memory_space<vmem>>) target_semaphore(%arg15 : memref<!tpu.dma_semaphore, #tpu.memory_space<semaphore_mem>>)
    %mul3A_223 = arith.constant 640 : i32
    %mul3A_224 = arith.muli %arg1, %mul3A_223 : i32
    %dma_start3A_225 = arith.constant 14 : i32
    %dma_start3A_226 = arith.constant 14 : i32
    %dma_start3A_227 = arith.constant 0 : i32
    %dma_start3A_228 = tpu.memref_slice %arg10[%dma_start3A_226, %dma_start3A_227] : memref<16x640xf32, #tpu.memory_space<vmem>> -> memref<1x640xf32, #tpu.memory_space<vmem>>
    %dma_start3A_229 = tpu.memref_squeeze %dma_start3A_228 : memref<1x640xf32, #tpu.memory_space<vmem>> -> memref<640xf32, #tpu.memory_space<vmem>>
    %dma_start3A_230 = tpu.memref_slice %arg13[%dma_start3A_225, %mul3A_224] : memref<16x10240xf32, #tpu.memory_space<vmem_shared>> -> memref<1x640xf32, #tpu.memory_space<vmem_shared>>
    %dma_start3A_231 = tpu.memref_squeeze %dma_start3A_230 : memref<1x640xf32, #tpu.memory_space<vmem_shared>> -> memref<640xf32, #tpu.memory_space<vmem_shared>>
    %dma_start3A_232 = arith.constant 0 : i32
    %dma_start3A_233 = tpu.memref_slice %arg10[%dma_start3A_226, %dma_start3A_232] : memref<16x640xf32, #tpu.memory_space<vmem>> -> memref<1x640xf32, #tpu.memory_space<vmem>>
    %dma_start3A_234 = tpu.memref_squeeze %dma_start3A_233 : memref<1x640xf32, #tpu.memory_space<vmem>> -> memref<640xf32, #tpu.memory_space<vmem>>
    %dma_start3A_235 = tpu.memref_slice %arg13[%dma_start3A_225, %mul3A_224] : memref<16x10240xf32, #tpu.memory_space<vmem_shared>> -> memref<1x640xf32, #tpu.memory_space<vmem_shared>>
    %dma_start3A_236 = tpu.memref_squeeze %dma_start3A_235 : memref<1x640xf32, #tpu.memory_space<vmem_shared>> -> memref<640xf32, #tpu.memory_space<vmem_shared>>
    tpu.enqueue_dma source(%dma_start3A_236 : memref<640xf32, #tpu.memory_space<vmem_shared>>) target(%dma_start3A_234 : memref<640xf32, #tpu.memory_space<vmem>>) target_semaphore(%arg15 : memref<!tpu.dma_semaphore, #tpu.memory_space<semaphore_mem>>)
    %mul3A_237 = arith.constant 640 : i32
    %mul3A_238 = arith.muli %arg1, %mul3A_237 : i32
    %dma_start3A_239 = arith.constant 15 : i32
    %dma_start3A_240 = arith.constant 15 : i32
    %dma_start3A_241 = arith.constant 0 : i32
    %dma_start3A_242 = tpu.memref_slice %arg10[%dma_start3A_240, %dma_start3A_241] : memref<16x640xf32, #tpu.memory_space<vmem>> -> memref<1x640xf32, #tpu.memory_space<vmem>>
    %dma_start3A_243 = tpu.memref_squeeze %dma_start3A_242 : memref<1x640xf32, #tpu.memory_space<vmem>> -> memref<640xf32, #tpu.memory_space<vmem>>
    %dma_start3A_244 = tpu.memref_slice %arg13[%dma_start3A_239, %mul3A_238] : memref<16x10240xf32, #tpu.memory_space<vmem_shared>> -> memref<1x640xf32, #tpu.memory_space<vmem_shared>>
    %dma_start3A_245 = tpu.memref_squeeze %dma_start3A_244 : memref<1x640xf32, #tpu.memory_space<vmem_shared>> -> memref<640xf32, #tpu.memory_space<vmem_shared>>
    %dma_start3A_246 = arith.constant 0 : i32
    %dma_start3A_247 = tpu.memref_slice %arg10[%dma_start3A_240, %dma_start3A_246] : memref<16x640xf32, #tpu.memory_space<vmem>> -> memref<1x640xf32, #tpu.memory_space<vmem>>
    %dma_start3A_248 = tpu.memref_squeeze %dma_start3A_247 : memref<1x640xf32, #tpu.memory_space<vmem>> -> memref<640xf32, #tpu.memory_space<vmem>>
    %dma_start3A_249 = tpu.memref_slice %arg13[%dma_start3A_239, %mul3A_238] : memref<16x10240xf32, #tpu.memory_space<vmem_shared>> -> memref<1x640xf32, #tpu.memory_space<vmem_shared>>
    %dma_start3A_250 = tpu.memref_squeeze %dma_start3A_249 : memref<1x640xf32, #tpu.memory_space<vmem_shared>> -> memref<640xf32, #tpu.memory_space<vmem_shared>>
    tpu.enqueue_dma source(%dma_start3A_250 : memref<640xf32, #tpu.memory_space<vmem_shared>>) target(%dma_start3A_248 : memref<640xf32, #tpu.memory_space<vmem>>) target_semaphore(%arg15 : memref<!tpu.dma_semaphore, #tpu.memory_space<semaphore_mem>>)
    %dma_wait3A_251 = arith.constant 0 : i32
    %dma_wait3A_252 = arith.constant 0 : i32
    %dma_wait3A_253 = arith.constant 0 : i32
    %dma_wait3A_254 = tpu.memref_slice %arg10[%dma_wait3A_252, %dma_wait3A_253] : memref<16x640xf32, #tpu.memory_space<vmem>> -> memref<1x640xf32, #tpu.memory_space<vmem>>
    %dma_wait3A_255 = tpu.memref_squeeze %dma_wait3A_254 : memref<1x640xf32, #tpu.memory_space<vmem>> -> memref<640xf32, #tpu.memory_space<vmem>>
    %dma_wait3A_256 = tpu.memref_slice %arg13[%dma_wait3A_251, %mul3A_28] : memref<16x10240xf32, #tpu.memory_space<vmem_shared>> -> memref<1x640xf32, #tpu.memory_space<vmem_shared>>
    %dma_wait3A_257 = tpu.memref_squeeze %dma_wait3A_256 : memref<1x640xf32, #tpu.memory_space<vmem_shared>> -> memref<640xf32, #tpu.memory_space<vmem_shared>>
    %dma_wait3A_258 = arith.constant 0 : i32
    %dma_wait3A_259 = tpu.memref_slice %arg10[%dma_wait3A_252, %dma_wait3A_258] : memref<16x640xf32, #tpu.memory_space<vmem>> -> memref<1x640xf32, #tpu.memory_space<vmem>>
    %dma_wait3A_260 = tpu.memref_squeeze %dma_wait3A_259 : memref<1x640xf32, #tpu.memory_space<vmem>> -> memref<640xf32, #tpu.memory_space<vmem>>
    %dma_wait3A_261 = tpu.memref_slice %arg13[%dma_wait3A_251, %mul3A_28] : memref<16x10240xf32, #tpu.memory_space<vmem_shared>> -> memref<1x640xf32, #tpu.memory_space<vmem_shared>>
    %dma_wait3A_262 = tpu.memref_squeeze %dma_wait3A_261 : memref<1x640xf32, #tpu.memory_space<vmem_shared>> -> memref<640xf32, #tpu.memory_space<vmem_shared>>
    tpu.wait_dma2 semaphore(%arg15 : memref<!tpu.dma_semaphore, #tpu.memory_space<semaphore_mem>>) src(%dma_wait3A_262 : memref<640xf32, #tpu.memory_space<vmem_shared>>) dst(%dma_wait3A_260 : memref<640xf32, #tpu.memory_space<vmem>>)
    %dma_wait3A_263 = arith.constant 1 : i32
    %dma_wait3A_264 = arith.constant 1 : i32
    %dma_wait3A_265 = arith.constant 0 : i32
    %dma_wait3A_266 = tpu.memref_slice %arg10[%dma_wait3A_264, %dma_wait3A_265] : memref<16x640xf32, #tpu.memory_space<vmem>> -> memref<1x640xf32, #tpu.memory_space<vmem>>
    %dma_wait3A_267 = tpu.memref_squeeze %dma_wait3A_266 : memref<1x640xf32, #tpu.memory_space<vmem>> -> memref<640xf32, #tpu.memory_space<vmem>>
    %dma_wait3A_268 = tpu.memref_slice %arg13[%dma_wait3A_263, %mul3A_42] : memref<16x10240xf32, #tpu.memory_space<vmem_shared>> -> memref<1x640xf32, #tpu.memory_space<vmem_shared>>
    %dma_wait3A_269 = tpu.memref_squeeze %dma_wait3A_268 : memref<1x640xf32, #tpu.memory_space<vmem_shared>> -> memref<640xf32, #tpu.memory_space<vmem_shared>>
    %dma_wait3A_270 = arith.constant 0 : i32
    %dma_wait3A_271 = tpu.memref_slice %arg10[%dma_wait3A_264, %dma_wait3A_270] : memref<16x640xf32, #tpu.memory_space<vmem>> -> memref<1x640xf32, #tpu.memory_space<vmem>>
    %dma_wait3A_272 = tpu.memref_squeeze %dma_wait3A_271 : memref<1x640xf32, #tpu.memory_space<vmem>> -> memref<640xf32, #tpu.memory_space<vmem>>
    %dma_wait3A_273 = tpu.memref_slice %arg13[%dma_wait3A_263, %mul3A_42] : memref<16x10240xf32, #tpu.memory_space<vmem_shared>> -> memref<1x640xf32, #tpu.memory_space<vmem_shared>>
    %dma_wait3A_274 = tpu.memref_squeeze %dma_wait3A_273 : memref<1x640xf32, #tpu.memory_space<vmem_shared>> -> memref<640xf32, #tpu.memory_space<vmem_shared>>
    tpu.wait_dma2 semaphore(%arg15 : memref<!tpu.dma_semaphore, #tpu.memory_space<semaphore_mem>>) src(%dma_wait3A_274 : memref<640xf32, #tpu.memory_space<vmem_shared>>) dst(%dma_wait3A_272 : memref<640xf32, #tpu.memory_space<vmem>>)
    %dma_wait3A_275 = arith.constant 2 : i32
    %dma_wait3A_276 = arith.constant 2 : i32
    %dma_wait3A_277 = arith.constant 0 : i32
    %dma_wait3A_278 = tpu.memref_slice %arg10[%dma_wait3A_276, %dma_wait3A_277] : memref<16x640xf32, #tpu.memory_space<vmem>> -> memref<1x640xf32, #tpu.memory_space<vmem>>
    %dma_wait3A_279 = tpu.memref_squeeze %dma_wait3A_278 : memref<1x640xf32, #tpu.memory_space<vmem>> -> memref<640xf32, #tpu.memory_space<vmem>>
    %dma_wait3A_280 = tpu.memref_slice %arg13[%dma_wait3A_275, %mul3A_56] : memref<16x10240xf32, #tpu.memory_space<vmem_shared>> -> memref<1x640xf32, #tpu.memory_space<vmem_shared>>
    %dma_wait3A_281 = tpu.memref_squeeze %dma_wait3A_280 : memref<1x640xf32, #tpu.memory_space<vmem_shared>> -> memref<640xf32, #tpu.memory_space<vmem_shared>>
    %dma_wait3A_282 = arith.constant 0 : i32
    %dma_wait3A_283 = tpu.memref_slice %arg10[%dma_wait3A_276, %dma_wait3A_282] : memref<16x640xf32, #tpu.memory_space<vmem>> -> memref<1x640xf32, #tpu.memory_space<vmem>>
    %dma_wait3A_284 = tpu.memref_squeeze %dma_wait3A_283 : memref<1x640xf32, #tpu.memory_space<vmem>> -> memref<640xf32, #tpu.memory_space<vmem>>
    %dma_wait3A_285 = tpu.memref_slice %arg13[%dma_wait3A_275, %mul3A_56] : memref<16x10240xf32, #tpu.memory_space<vmem_shared>> -> memref<1x640xf32, #tpu.memory_space<vmem_shared>>
    %dma_wait3A_286 = tpu.memref_squeeze %dma_wait3A_285 : memref<1x640xf32, #tpu.memory_space<vmem_shared>> -> memref<640xf32, #tpu.memory_space<vmem_shared>>
    tpu.wait_dma2 semaphore(%arg15 : memref<!tpu.dma_semaphore, #tpu.memory_space<semaphore_mem>>) src(%dma_wait3A_286 : memref<640xf32, #tpu.memory_space<vmem_shared>>) dst(%dma_wait3A_284 : memref<640xf32, #tpu.memory_space<vmem>>)
    %dma_wait3A_287 = arith.constant 3 : i32
    %dma_wait3A_288 = arith.constant 3 : i32
    %dma_wait3A_289 = arith.constant 0 : i32
    %dma_wait3A_290 = tpu.memref_slice %arg10[%dma_wait3A_288, %dma_wait3A_289] : memref<16x640xf32, #tpu.memory_space<vmem>> -> memref<1x640xf32, #tpu.memory_space<vmem>>
    %dma_wait3A_291 = tpu.memref_squeeze %dma_wait3A_290 : memref<1x640xf32, #tpu.memory_space<vmem>> -> memref<640xf32, #tpu.memory_space<vmem>>
    %dma_wait3A_292 = tpu.memref_slice %arg13[%dma_wait3A_287, %mul3A_70] : memref<16x10240xf32, #tpu.memory_space<vmem_shared>> -> memref<1x640xf32, #tpu.memory_space<vmem_shared>>
    %dma_wait3A_293 = tpu.memref_squeeze %dma_wait3A_292 : memref<1x640xf32, #tpu.memory_space<vmem_shared>> -> memref<640xf32, #tpu.memory_space<vmem_shared>>
    %dma_wait3A_294 = arith.constant 0 : i32
    %dma_wait3A_295 = tpu.memref_slice %arg10[%dma_wait3A_288, %dma_wait3A_294] : memref<16x640xf32, #tpu.memory_space<vmem>> -> memref<1x640xf32, #tpu.memory_space<vmem>>
    %dma_wait3A_296 = tpu.memref_squeeze %dma_wait3A_295 : memref<1x640xf32, #tpu.memory_space<vmem>> -> memref<640xf32, #tpu.memory_space<vmem>>
    %dma_wait3A_297 = tpu.memref_slice %arg13[%dma_wait3A_287, %mul3A_70] : memref<16x10240xf32, #tpu.memory_space<vmem_shared>> -> memref<1x640xf32, #tpu.memory_space<vmem_shared>>
    %dma_wait3A_298 = tpu.memref_squeeze %dma_wait3A_297 : memref<1x640xf32, #tpu.memory_space<vmem_shared>> -> memref<640xf32, #tpu.memory_space<vmem_shared>>
    tpu.wait_dma2 semaphore(%arg15 : memref<!tpu.dma_semaphore, #tpu.memory_space<semaphore_mem>>) src(%dma_wait3A_298 : memref<640xf32, #tpu.memory_space<vmem_shared>>) dst(%dma_wait3A_296 : memref<640xf32, #tpu.memory_space<vmem>>)
    %dma_wait3A_299 = arith.constant 4 : i32
    %dma_wait3A_300 = arith.constant 4 : i32
    %dma_wait3A_301 = arith.constant 0 : i32
    %dma_wait3A_302 = tpu.memref_slice %arg10[%dma_wait3A_300, %dma_wait3A_301] : memref<16x640xf32, #tpu.memory_space<vmem>> -> memref<1x640xf32, #tpu.memory_space<vmem>>
    %dma_wait3A_303 = tpu.memref_squeeze %dma_wait3A_302 : memref<1x640xf32, #tpu.memory_space<vmem>> -> memref<640xf32, #tpu.memory_space<vmem>>
    %dma_wait3A_304 = tpu.memref_slice %arg13[%dma_wait3A_299, %mul3A_84] : memref<16x10240xf32, #tpu.memory_space<vmem_shared>> -> memref<1x640xf32, #tpu.memory_space<vmem_shared>>
    %dma_wait3A_305 = tpu.memref_squeeze %dma_wait3A_304 : memref<1x640xf32, #tpu.memory_space<vmem_shared>> -> memref<640xf32, #tpu.memory_space<vmem_shared>>
    %dma_wait3A_306 = arith.constant 0 : i32
    %dma_wait3A_307 = tpu.memref_slice %arg10[%dma_wait3A_300, %dma_wait3A_306] : memref<16x640xf32, #tpu.memory_space<vmem>> -> memref<1x640xf32, #tpu.memory_space<vmem>>
    %dma_wait3A_308 = tpu.memref_squeeze %dma_wait3A_307 : memref<1x640xf32, #tpu.memory_space<vmem>> -> memref<640xf32, #tpu.memory_space<vmem>>
    %dma_wait3A_309 = tpu.memref_slice %arg13[%dma_wait3A_299, %mul3A_84] : memref<16x10240xf32, #tpu.memory_space<vmem_shared>> -> memref<1x640xf32, #tpu.memory_space<vmem_shared>>
    %dma_wait3A_310 = tpu.memref_squeeze %dma_wait3A_309 : memref<1x640xf32, #tpu.memory_space<vmem_shared>> -> memref<640xf32, #tpu.memory_space<vmem_shared>>
    tpu.wait_dma2 semaphore(%arg15 : memref<!tpu.dma_semaphore, #tpu.memory_space<semaphore_mem>>) src(%dma_wait3A_310 : memref<640xf32, #tpu.memory_space<vmem_shared>>) dst(%dma_wait3A_308 : memref<640xf32, #tpu.memory_space<vmem>>)
    %dma_wait3A_311 = arith.constant 5 : i32
    %dma_wait3A_312 = arith.constant 5 : i32
    %dma_wait3A_313 = arith.constant 0 : i32
    %dma_wait3A_314 = tpu.memref_slice %arg10[%dma_wait3A_312, %dma_wait3A_313] : memref<16x640xf32, #tpu.memory_space<vmem>> -> memref<1x640xf32, #tpu.memory_space<vmem>>
    %dma_wait3A_315 = tpu.memref_squeeze %dma_wait3A_314 : memref<1x640xf32, #tpu.memory_space<vmem>> -> memref<640xf32, #tpu.memory_space<vmem>>
    %dma_wait3A_316 = tpu.memref_slice %arg13[%dma_wait3A_311, %mul3A_98] : memref<16x10240xf32, #tpu.memory_space<vmem_shared>> -> memref<1x640xf32, #tpu.memory_space<vmem_shared>>
    %dma_wait3A_317 = tpu.memref_squeeze %dma_wait3A_316 : memref<1x640xf32, #tpu.memory_space<vmem_shared>> -> memref<640xf32, #tpu.memory_space<vmem_shared>>
    %dma_wait3A_318 = arith.constant 0 : i32
    %dma_wait3A_319 = tpu.memref_slice %arg10[%dma_wait3A_312, %dma_wait3A_318] : memref<16x640xf32, #tpu.memory_space<vmem>> -> memref<1x640xf32, #tpu.memory_space<vmem>>
    %dma_wait3A_320 = tpu.memref_squeeze %dma_wait3A_319 : memref<1x640xf32, #tpu.memory_space<vmem>> -> memref<640xf32, #tpu.memory_space<vmem>>
    %dma_wait3A_321 = tpu.memref_slice %arg13[%dma_wait3A_311, %mul3A_98] : memref<16x10240xf32, #tpu.memory_space<vmem_shared>> -> memref<1x640xf32, #tpu.memory_space<vmem_shared>>
    %dma_wait3A_322 = tpu.memref_squeeze %dma_wait3A_321 : memref<1x640xf32, #tpu.memory_space<vmem_shared>> -> memref<640xf32, #tpu.memory_space<vmem_shared>>
    tpu.wait_dma2 semaphore(%arg15 : memref<!tpu.dma_semaphore, #tpu.memory_space<semaphore_mem>>) src(%dma_wait3A_322 : memref<640xf32, #tpu.memory_space<vmem_shared>>) dst(%dma_wait3A_320 : memref<640xf32, #tpu.memory_space<vmem>>)
    %dma_wait3A_323 = arith.constant 6 : i32
    %dma_wait3A_324 = arith.constant 6 : i32
    %dma_wait3A_325 = arith.constant 0 : i32
    %dma_wait3A_326 = tpu.memref_slice %arg10[%dma_wait3A_324, %dma_wait3A_325] : memref<16x640xf32, #tpu.memory_space<vmem>> -> memref<1x640xf32, #tpu.memory_space<vmem>>
    %dma_wait3A_327 = tpu.memref_squeeze %dma_wait3A_326 : memref<1x640xf32, #tpu.memory_space<vmem>> -> memref<640xf32, #tpu.memory_space<vmem>>
    %dma_wait3A_328 = tpu.memref_slice %arg13[%dma_wait3A_323, %mul3A_112] : memref<16x10240xf32, #tpu.memory_space<vmem_shared>> -> memref<1x640xf32, #tpu.memory_space<vmem_shared>>
    %dma_wait3A_329 = tpu.memref_squeeze %dma_wait3A_328 : memref<1x640xf32, #tpu.memory_space<vmem_shared>> -> memref<640xf32, #tpu.memory_space<vmem_shared>>
    %dma_wait3A_330 = arith.constant 0 : i32
    %dma_wait3A_331 = tpu.memref_slice %arg10[%dma_wait3A_324, %dma_wait3A_330] : memref<16x640xf32, #tpu.memory_space<vmem>> -> memref<1x640xf32, #tpu.memory_space<vmem>>
    %dma_wait3A_332 = tpu.memref_squeeze %dma_wait3A_331 : memref<1x640xf32, #tpu.memory_space<vmem>> -> memref<640xf32, #tpu.memory_space<vmem>>
    %dma_wait3A_333 = tpu.memref_slice %arg13[%dma_wait3A_323, %mul3A_112] : memref<16x10240xf32, #tpu.memory_space<vmem_shared>> -> memref<1x640xf32, #tpu.memory_space<vmem_shared>>
    %dma_wait3A_334 = tpu.memref_squeeze %dma_wait3A_333 : memref<1x640xf32, #tpu.memory_space<vmem_shared>> -> memref<640xf32, #tpu.memory_space<vmem_shared>>
    tpu.wait_dma2 semaphore(%arg15 : memref<!tpu.dma_semaphore, #tpu.memory_space<semaphore_mem>>) src(%dma_wait3A_334 : memref<640xf32, #tpu.memory_space<vmem_shared>>) dst(%dma_wait3A_332 : memref<640xf32, #tpu.memory_space<vmem>>)
    %dma_wait3A_335 = arith.constant 7 : i32
    %dma_wait3A_336 = arith.constant 7 : i32
    %dma_wait3A_337 = arith.constant 0 : i32
    %dma_wait3A_338 = tpu.memref_slice %arg10[%dma_wait3A_336, %dma_wait3A_337] : memref<16x640xf32, #tpu.memory_space<vmem>> -> memref<1x640xf32, #tpu.memory_space<vmem>>
    %dma_wait3A_339 = tpu.memref_squeeze %dma_wait3A_338 : memref<1x640xf32, #tpu.memory_space<vmem>> -> memref<640xf32, #tpu.memory_space<vmem>>
    %dma_wait3A_340 = tpu.memref_slice %arg13[%dma_wait3A_335, %mul3A_126] : memref<16x10240xf32, #tpu.memory_space<vmem_shared>> -> memref<1x640xf32, #tpu.memory_space<vmem_shared>>
    %dma_wait3A_341 = tpu.memref_squeeze %dma_wait3A_340 : memref<1x640xf32, #tpu.memory_space<vmem_shared>> -> memref<640xf32, #tpu.memory_space<vmem_shared>>
    %dma_wait3A_342 = arith.constant 0 : i32
    %dma_wait3A_343 = tpu.memref_slice %arg10[%dma_wait3A_336, %dma_wait3A_342] : memref<16x640xf32, #tpu.memory_space<vmem>> -> memref<1x640xf32, #tpu.memory_space<vmem>>
    %dma_wait3A_344 = tpu.memref_squeeze %dma_wait3A_343 : memref<1x640xf32, #tpu.memory_space<vmem>> -> memref<640xf32, #tpu.memory_space<vmem>>
    %dma_wait3A_345 = tpu.memref_slice %arg13[%dma_wait3A_335, %mul3A_126] : memref<16x10240xf32, #tpu.memory_space<vmem_shared>> -> memref<1x640xf32, #tpu.memory_space<vmem_shared>>
    %dma_wait3A_346 = tpu.memref_squeeze %dma_wait3A_345 : memref<1x640xf32, #tpu.memory_space<vmem_shared>> -> memref<640xf32, #tpu.memory_space<vmem_shared>>
    tpu.wait_dma2 semaphore(%arg15 : memref<!tpu.dma_semaphore, #tpu.memory_space<semaphore_mem>>) src(%dma_wait3A_346 : memref<640xf32, #tpu.memory_space<vmem_shared>>) dst(%dma_wait3A_344 : memref<640xf32, #tpu.memory_space<vmem>>)
    %dma_wait3A_347 = arith.constant 8 : i32
    %dma_wait3A_348 = arith.constant 8 : i32
    %dma_wait3A_349 = arith.constant 0 : i32
    %dma_wait3A_350 = tpu.memref_slice %arg10[%dma_wait3A_348, %dma_wait3A_349] : memref<16x640xf32, #tpu.memory_space<vmem>> -> memref<1x640xf32, #tpu.memory_space<vmem>>
    %dma_wait3A_351 = tpu.memref_squeeze %dma_wait3A_350 : memref<1x640xf32, #tpu.memory_space<vmem>> -> memref<640xf32, #tpu.memory_space<vmem>>
    %dma_wait3A_352 = tpu.memref_slice %arg13[%dma_wait3A_347, %mul3A_140] : memref<16x10240xf32, #tpu.memory_space<vmem_shared>> -> memref<1x640xf32, #tpu.memory_space<vmem_shared>>
    %dma_wait3A_353 = tpu.memref_squeeze %dma_wait3A_352 : memref<1x640xf32, #tpu.memory_space<vmem_shared>> -> memref<640xf32, #tpu.memory_space<vmem_shared>>
    %dma_wait3A_354 = arith.constant 0 : i32
    %dma_wait3A_355 = tpu.memref_slice %arg10[%dma_wait3A_348, %dma_wait3A_354] : memref<16x640xf32, #tpu.memory_space<vmem>> -> memref<1x640xf32, #tpu.memory_space<vmem>>
    %dma_wait3A_356 = tpu.memref_squeeze %dma_wait3A_355 : memref<1x640xf32, #tpu.memory_space<vmem>> -> memref<640xf32, #tpu.memory_space<vmem>>
    %dma_wait3A_357 = tpu.memref_slice %arg13[%dma_wait3A_347, %mul3A_140] : memref<16x10240xf32, #tpu.memory_space<vmem_shared>> -> memref<1x640xf32, #tpu.memory_space<vmem_shared>>
    %dma_wait3A_358 = tpu.memref_squeeze %dma_wait3A_357 : memref<1x640xf32, #tpu.memory_space<vmem_shared>> -> memref<640xf32, #tpu.memory_space<vmem_shared>>
    tpu.wait_dma2 semaphore(%arg15 : memref<!tpu.dma_semaphore, #tpu.memory_space<semaphore_mem>>) src(%dma_wait3A_358 : memref<640xf32, #tpu.memory_space<vmem_shared>>) dst(%dma_wait3A_356 : memref<640xf32, #tpu.memory_space<vmem>>)
    %dma_wait3A_359 = arith.constant 9 : i32
    %dma_wait3A_360 = arith.constant 9 : i32
    %dma_wait3A_361 = arith.constant 0 : i32
    %dma_wait3A_362 = tpu.memref_slice %arg10[%dma_wait3A_360, %dma_wait3A_361] : memref<16x640xf32, #tpu.memory_space<vmem>> -> memref<1x640xf32, #tpu.memory_space<vmem>>
    %dma_wait3A_363 = tpu.memref_squeeze %dma_wait3A_362 : memref<1x640xf32, #tpu.memory_space<vmem>> -> memref<640xf32, #tpu.memory_space<vmem>>
    %dma_wait3A_364 = tpu.memref_slice %arg13[%dma_wait3A_359, %mul3A_154] : memref<16x10240xf32, #tpu.memory_space<vmem_shared>> -> memref<1x640xf32, #tpu.memory_space<vmem_shared>>
    %dma_wait3A_365 = tpu.memref_squeeze %dma_wait3A_364 : memref<1x640xf32, #tpu.memory_space<vmem_shared>> -> memref<640xf32, #tpu.memory_space<vmem_shared>>
    %dma_wait3A_366 = arith.constant 0 : i32
    %dma_wait3A_367 = tpu.memref_slice %arg10[%dma_wait3A_360, %dma_wait3A_366] : memref<16x640xf32, #tpu.memory_space<vmem>> -> memref<1x640xf32, #tpu.memory_space<vmem>>
    %dma_wait3A_368 = tpu.memref_squeeze %dma_wait3A_367 : memref<1x640xf32, #tpu.memory_space<vmem>> -> memref<640xf32, #tpu.memory_space<vmem>>
    %dma_wait3A_369 = tpu.memref_slice %arg13[%dma_wait3A_359, %mul3A_154] : memref<16x10240xf32, #tpu.memory_space<vmem_shared>> -> memref<1x640xf32, #tpu.memory_space<vmem_shared>>
    %dma_wait3A_370 = tpu.memref_squeeze %dma_wait3A_369 : memref<1x640xf32, #tpu.memory_space<vmem_shared>> -> memref<640xf32, #tpu.memory_space<vmem_shared>>
    tpu.wait_dma2 semaphore(%arg15 : memref<!tpu.dma_semaphore, #tpu.memory_space<semaphore_mem>>) src(%dma_wait3A_370 : memref<640xf32, #tpu.memory_space<vmem_shared>>) dst(%dma_wait3A_368 : memref<640xf32, #tpu.memory_space<vmem>>)
    %dma_wait3A_371 = arith.constant 10 : i32
    %dma_wait3A_372 = arith.constant 10 : i32
    %dma_wait3A_373 = arith.constant 0 : i32
    %dma_wait3A_374 = tpu.memref_slice %arg10[%dma_wait3A_372, %dma_wait3A_373] : memref<16x640xf32, #tpu.memory_space<vmem>> -> memref<1x640xf32, #tpu.memory_space<vmem>>
    %dma_wait3A_375 = tpu.memref_squeeze %dma_wait3A_374 : memref<1x640xf32, #tpu.memory_space<vmem>> -> memref<640xf32, #tpu.memory_space<vmem>>
    %dma_wait3A_376 = tpu.memref_slice %arg13[%dma_wait3A_371, %mul3A_168] : memref<16x10240xf32, #tpu.memory_space<vmem_shared>> -> memref<1x640xf32, #tpu.memory_space<vmem_shared>>
    %dma_wait3A_377 = tpu.memref_squeeze %dma_wait3A_376 : memref<1x640xf32, #tpu.memory_space<vmem_shared>> -> memref<640xf32, #tpu.memory_space<vmem_shared>>
    %dma_wait3A_378 = arith.constant 0 : i32
    %dma_wait3A_379 = tpu.memref_slice %arg10[%dma_wait3A_372, %dma_wait3A_378] : memref<16x640xf32, #tpu.memory_space<vmem>> -> memref<1x640xf32, #tpu.memory_space<vmem>>
    %dma_wait3A_380 = tpu.memref_squeeze %dma_wait3A_379 : memref<1x640xf32, #tpu.memory_space<vmem>> -> memref<640xf32, #tpu.memory_space<vmem>>
    %dma_wait3A_381 = tpu.memref_slice %arg13[%dma_wait3A_371, %mul3A_168] : memref<16x10240xf32, #tpu.memory_space<vmem_shared>> -> memref<1x640xf32, #tpu.memory_space<vmem_shared>>
    %dma_wait3A_382 = tpu.memref_squeeze %dma_wait3A_381 : memref<1x640xf32, #tpu.memory_space<vmem_shared>> -> memref<640xf32, #tpu.memory_space<vmem_shared>>
    tpu.wait_dma2 semaphore(%arg15 : memref<!tpu.dma_semaphore, #tpu.memory_space<semaphore_mem>>) src(%dma_wait3A_382 : memref<640xf32, #tpu.memory_space<vmem_shared>>) dst(%dma_wait3A_380 : memref<640xf32, #tpu.memory_space<vmem>>)
    %dma_wait3A_383 = arith.constant 11 : i32
    %dma_wait3A_384 = arith.constant 11 : i32
    %dma_wait3A_385 = arith.constant 0 : i32
    %dma_wait3A_386 = tpu.memref_slice %arg10[%dma_wait3A_384, %dma_wait3A_385] : memref<16x640xf32, #tpu.memory_space<vmem>> -> memref<1x640xf32, #tpu.memory_space<vmem>>
    %dma_wait3A_387 = tpu.memref_squeeze %dma_wait3A_386 : memref<1x640xf32, #tpu.memory_space<vmem>> -> memref<640xf32, #tpu.memory_space<vmem>>
    %dma_wait3A_388 = tpu.memref_slice %arg13[%dma_wait3A_383, %mul3A_182] : memref<16x10240xf32, #tpu.memory_space<vmem_shared>> -> memref<1x640xf32, #tpu.memory_space<vmem_shared>>
    %dma_wait3A_389 = tpu.memref_squeeze %dma_wait3A_388 : memref<1x640xf32, #tpu.memory_space<vmem_shared>> -> memref<640xf32, #tpu.memory_space<vmem_shared>>
    %dma_wait3A_390 = arith.constant 0 : i32
    %dma_wait3A_391 = tpu.memref_slice %arg10[%dma_wait3A_384, %dma_wait3A_390] : memref<16x640xf32, #tpu.memory_space<vmem>> -> memref<1x640xf32, #tpu.memory_space<vmem>>
    %dma_wait3A_392 = tpu.memref_squeeze %dma_wait3A_391 : memref<1x640xf32, #tpu.memory_space<vmem>> -> memref<640xf32, #tpu.memory_space<vmem>>
    %dma_wait3A_393 = tpu.memref_slice %arg13[%dma_wait3A_383, %mul3A_182] : memref<16x10240xf32, #tpu.memory_space<vmem_shared>> -> memref<1x640xf32, #tpu.memory_space<vmem_shared>>
    %dma_wait3A_394 = tpu.memref_squeeze %dma_wait3A_393 : memref<1x640xf32, #tpu.memory_space<vmem_shared>> -> memref<640xf32, #tpu.memory_space<vmem_shared>>
    tpu.wait_dma2 semaphore(%arg15 : memref<!tpu.dma_semaphore, #tpu.memory_space<semaphore_mem>>) src(%dma_wait3A_394 : memref<640xf32, #tpu.memory_space<vmem_shared>>) dst(%dma_wait3A_392 : memref<640xf32, #tpu.memory_space<vmem>>)
    %dma_wait3A_395 = arith.constant 12 : i32
    %dma_wait3A_396 = arith.constant 12 : i32
    %dma_wait3A_397 = arith.constant 0 : i32
    %dma_wait3A_398 = tpu.memref_slice %arg10[%dma_wait3A_396, %dma_wait3A_397] : memref<16x640xf32, #tpu.memory_space<vmem>> -> memref<1x640xf32, #tpu.memory_space<vmem>>
    %dma_wait3A_399 = tpu.memref_squeeze %dma_wait3A_398 : memref<1x640xf32, #tpu.memory_space<vmem>> -> memref<640xf32, #tpu.memory_space<vmem>>
    %dma_wait3A_400 = tpu.memref_slice %arg13[%dma_wait3A_395, %mul3A_196] : memref<16x10240xf32, #tpu.memory_space<vmem_shared>> -> memref<1x640xf32, #tpu.memory_space<vmem_shared>>
    %dma_wait3A_401 = tpu.memref_squeeze %dma_wait3A_400 : memref<1x640xf32, #tpu.memory_space<vmem_shared>> -> memref<640xf32, #tpu.memory_space<vmem_shared>>
    %dma_wait3A_402 = arith.constant 0 : i32
    %dma_wait3A_403 = tpu.memref_slice %arg10[%dma_wait3A_396, %dma_wait3A_402] : memref<16x640xf32, #tpu.memory_space<vmem>> -> memref<1x640xf32, #tpu.memory_space<vmem>>
    %dma_wait3A_404 = tpu.memref_squeeze %dma_wait3A_403 : memref<1x640xf32, #tpu.memory_space<vmem>> -> memref<640xf32, #tpu.memory_space<vmem>>
    %dma_wait3A_405 = tpu.memref_slice %arg13[%dma_wait3A_395, %mul3A_196] : memref<16x10240xf32, #tpu.memory_space<vmem_shared>> -> memref<1x640xf32, #tpu.memory_space<vmem_shared>>
    %dma_wait3A_406 = tpu.memref_squeeze %dma_wait3A_405 : memref<1x640xf32, #tpu.memory_space<vmem_shared>> -> memref<640xf32, #tpu.memory_space<vmem_shared>>
    tpu.wait_dma2 semaphore(%arg15 : memref<!tpu.dma_semaphore, #tpu.memory_space<semaphore_mem>>) src(%dma_wait3A_406 : memref<640xf32, #tpu.memory_space<vmem_shared>>) dst(%dma_wait3A_404 : memref<640xf32, #tpu.memory_space<vmem>>)
    %dma_wait3A_407 = arith.constant 13 : i32
    %dma_wait3A_408 = arith.constant 13 : i32
    %dma_wait3A_409 = arith.constant 0 : i32
    %dma_wait3A_410 = tpu.memref_slice %arg10[%dma_wait3A_408, %dma_wait3A_409] : memref<16x640xf32, #tpu.memory_space<vmem>> -> memref<1x640xf32, #tpu.memory_space<vmem>>
    %dma_wait3A_411 = tpu.memref_squeeze %dma_wait3A_410 : memref<1x640xf32, #tpu.memory_space<vmem>> -> memref<640xf32, #tpu.memory_space<vmem>>
    %dma_wait3A_412 = tpu.memref_slice %arg13[%dma_wait3A_407, %mul3A_210] : memref<16x10240xf32, #tpu.memory_space<vmem_shared>> -> memref<1x640xf32, #tpu.memory_space<vmem_shared>>
    %dma_wait3A_413 = tpu.memref_squeeze %dma_wait3A_412 : memref<1x640xf32, #tpu.memory_space<vmem_shared>> -> memref<640xf32, #tpu.memory_space<vmem_shared>>
    %dma_wait3A_414 = arith.constant 0 : i32
    %dma_wait3A_415 = tpu.memref_slice %arg10[%dma_wait3A_408, %dma_wait3A_414] : memref<16x640xf32, #tpu.memory_space<vmem>> -> memref<1x640xf32, #tpu.memory_space<vmem>>
    %dma_wait3A_416 = tpu.memref_squeeze %dma_wait3A_415 : memref<1x640xf32, #tpu.memory_space<vmem>> -> memref<640xf32, #tpu.memory_space<vmem>>
    %dma_wait3A_417 = tpu.memref_slice %arg13[%dma_wait3A_407, %mul3A_210] : memref<16x10240xf32, #tpu.memory_space<vmem_shared>> -> memref<1x640xf32, #tpu.memory_space<vmem_shared>>
    %dma_wait3A_418 = tpu.memref_squeeze %dma_wait3A_417 : memref<1x640xf32, #tpu.memory_space<vmem_shared>> -> memref<640xf32, #tpu.memory_space<vmem_shared>>
    tpu.wait_dma2 semaphore(%arg15 : memref<!tpu.dma_semaphore, #tpu.memory_space<semaphore_mem>>) src(%dma_wait3A_418 : memref<640xf32, #tpu.memory_space<vmem_shared>>) dst(%dma_wait3A_416 : memref<640xf32, #tpu.memory_space<vmem>>)
    %dma_wait3A_419 = arith.constant 14 : i32
    %dma_wait3A_420 = arith.constant 14 : i32
    %dma_wait3A_421 = arith.constant 0 : i32
    %dma_wait3A_422 = tpu.memref_slice %arg10[%dma_wait3A_420, %dma_wait3A_421] : memref<16x640xf32, #tpu.memory_space<vmem>> -> memref<1x640xf32, #tpu.memory_space<vmem>>
    %dma_wait3A_423 = tpu.memref_squeeze %dma_wait3A_422 : memref<1x640xf32, #tpu.memory_space<vmem>> -> memref<640xf32, #tpu.memory_space<vmem>>
    %dma_wait3A_424 = tpu.memref_slice %arg13[%dma_wait3A_419, %mul3A_224] : memref<16x10240xf32, #tpu.memory_space<vmem_shared>> -> memref<1x640xf32, #tpu.memory_space<vmem_shared>>
    %dma_wait3A_425 = tpu.memref_squeeze %dma_wait3A_424 : memref<1x640xf32, #tpu.memory_space<vmem_shared>> -> memref<640xf32, #tpu.memory_space<vmem_shared>>
    %dma_wait3A_426 = arith.constant 0 : i32
    %dma_wait3A_427 = tpu.memref_slice %arg10[%dma_wait3A_420, %dma_wait3A_426] : memref<16x640xf32, #tpu.memory_space<vmem>> -> memref<1x640xf32, #tpu.memory_space<vmem>>
    %dma_wait3A_428 = tpu.memref_squeeze %dma_wait3A_427 : memref<1x640xf32, #tpu.memory_space<vmem>> -> memref<640xf32, #tpu.memory_space<vmem>>
    %dma_wait3A_429 = tpu.memref_slice %arg13[%dma_wait3A_419, %mul3A_224] : memref<16x10240xf32, #tpu.memory_space<vmem_shared>> -> memref<1x640xf32, #tpu.memory_space<vmem_shared>>
    %dma_wait3A_430 = tpu.memref_squeeze %dma_wait3A_429 : memref<1x640xf32, #tpu.memory_space<vmem_shared>> -> memref<640xf32, #tpu.memory_space<vmem_shared>>
    tpu.wait_dma2 semaphore(%arg15 : memref<!tpu.dma_semaphore, #tpu.memory_space<semaphore_mem>>) src(%dma_wait3A_430 : memref<640xf32, #tpu.memory_space<vmem_shared>>) dst(%dma_wait3A_428 : memref<640xf32, #tpu.memory_space<vmem>>)
    %dma_wait3A_431 = arith.constant 15 : i32
    %dma_wait3A_432 = arith.constant 15 : i32
    %dma_wait3A_433 = arith.constant 0 : i32
    %dma_wait3A_434 = tpu.memref_slice %arg10[%dma_wait3A_432, %dma_wait3A_433] : memref<16x640xf32, #tpu.memory_space<vmem>> -> memref<1x640xf32, #tpu.memory_space<vmem>>
    %dma_wait3A_435 = tpu.memref_squeeze %dma_wait3A_434 : memref<1x640xf32, #tpu.memory_space<vmem>> -> memref<640xf32, #tpu.memory_space<vmem>>
    %dma_wait3A_436 = tpu.memref_slice %arg13[%dma_wait3A_431, %mul3A_238] : memref<16x10240xf32, #tpu.memory_space<vmem_shared>> -> memref<1x640xf32, #tpu.memory_space<vmem_shared>>
    %dma_wait3A_437 = tpu.memref_squeeze %dma_wait3A_436 : memref<1x640xf32, #tpu.memory_space<vmem_shared>> -> memref<640xf32, #tpu.memory_space<vmem_shared>>
    %dma_wait3A_438 = arith.constant 0 : i32
    %dma_wait3A_439 = tpu.memref_slice %arg10[%dma_wait3A_432, %dma_wait3A_438] : memref<16x640xf32, #tpu.memory_space<vmem>> -> memref<1x640xf32, #tpu.memory_space<vmem>>
    %dma_wait3A_440 = tpu.memref_squeeze %dma_wait3A_439 : memref<1x640xf32, #tpu.memory_space<vmem>> -> memref<640xf32, #tpu.memory_space<vmem>>
    %dma_wait3A_441 = tpu.memref_slice %arg13[%dma_wait3A_431, %mul3A_238] : memref<16x10240xf32, #tpu.memory_space<vmem_shared>> -> memref<1x640xf32, #tpu.memory_space<vmem_shared>>
    %dma_wait3A_442 = tpu.memref_squeeze %dma_wait3A_441 : memref<1x640xf32, #tpu.memory_space<vmem_shared>> -> memref<640xf32, #tpu.memory_space<vmem_shared>>
    tpu.wait_dma2 semaphore(%arg15 : memref<!tpu.dma_semaphore, #tpu.memory_space<semaphore_mem>>) src(%dma_wait3A_442 : memref<640xf32, #tpu.memory_space<vmem_shared>>) dst(%dma_wait3A_440 : memref<640xf32, #tpu.memory_space<vmem>>)
    %parallel_loop3A_443 = arith.constant 0 : i32
    %parallel_loop3A_444 = arith.constant 640 : i32
    %parallel_loop3A_445 = arith.constant 16 : i32
    scf.for %parallel_loop3A_663 = %parallel_loop3A_443 to %parallel_loop3A_444 step %parallel_loop3A_445  : i32 {
      %parallel_loop3A_664 = arith.constant 0 : i32
      %parallel_loop3A_665 = arith.index_cast %parallel_loop3A_664 : i32 to index
      %parallel_loop3A_666 = arith.index_cast %parallel_loop3A_663 : i32 to index
      %parallel_loop3A_667 = tpu.vector_load %arg10[%parallel_loop3A_665, %parallel_loop3A_666] {strides = array<i32>} : memref<16x640xf32, #tpu.memory_space<vmem>>, vector<16xf32>,
      %parallel_loop3A_668 = arith.constant 1 : i32
      %parallel_loop3A_669 = arith.index_cast %parallel_loop3A_668 : i32 to index
      %parallel_loop3A_670 = arith.index_cast %parallel_loop3A_663 : i32 to index
      %parallel_loop3A_671 = tpu.vector_load %arg10[%parallel_loop3A_669, %parallel_loop3A_670] {strides = array<i32>} : memref<16x640xf32, #tpu.memory_space<vmem>>, vector<16xf32>,
      %parallel_loop3A_672 = arith.addf %parallel_loop3A_667, %parallel_loop3A_671 : vector<16xf32>
      %parallel_loop3A_673 = arith.constant 2 : i32
      %parallel_loop3A_674 = arith.index_cast %parallel_loop3A_673 : i32 to index
      %parallel_loop3A_675 = arith.index_cast %parallel_loop3A_663 : i32 to index
      %parallel_loop3A_676 = tpu.vector_load %arg10[%parallel_loop3A_674, %parallel_loop3A_675] {strides = array<i32>} : memref<16x640xf32, #tpu.memory_space<vmem>>, vector<16xf32>,
      %parallel_loop3A_677 = arith.addf %parallel_loop3A_672, %parallel_loop3A_676 : vector<16xf32>
      %parallel_loop3A_678 = arith.constant 3 : i32
      %parallel_loop3A_679 = arith.index_cast %parallel_loop3A_678 : i32 to index
      %parallel_loop3A_680 = arith.index_cast %parallel_loop3A_663 : i32 to index
      %parallel_loop3A_681 = tpu.vector_load %arg10[%parallel_loop3A_679, %parallel_loop3A_680] {strides = array<i32>} : memref<16x640xf32, #tpu.memory_space<vmem>>, vector<16xf32>,
      %parallel_loop3A_682 = arith.addf %parallel_loop3A_677, %parallel_loop3A_681 : vector<16xf32>
      %parallel_loop3A_683 = arith.constant 4 : i32
      %parallel_loop3A_684 = arith.index_cast %parallel_loop3A_683 : i32 to index
      %parallel_loop3A_685 = arith.index_cast %parallel_loop3A_663 : i32 to index
      %parallel_loop3A_686 = tpu.vector_load %arg10[%parallel_loop3A_684, %parallel_loop3A_685] {strides = array<i32>} : memref<16x640xf32, #tpu.memory_space<vmem>>, vector<16xf32>,
      %parallel_loop3A_687 = arith.addf %parallel_loop3A_682, %parallel_loop3A_686 : vector<16xf32>
      %parallel_loop3A_688 = arith.constant 5 : i32
      %parallel_loop3A_689 = arith.index_cast %parallel_loop3A_688 : i32 to index
      %parallel_loop3A_690 = arith.index_cast %parallel_loop3A_663 : i32 to index
      %parallel_loop3A_691 = tpu.vector_load %arg10[%parallel_loop3A_689, %parallel_loop3A_690] {strides = array<i32>} : memref<16x640xf32, #tpu.memory_space<vmem>>, vector<16xf32>,
      %parallel_loop3A_692 = arith.addf %parallel_loop3A_687, %parallel_loop3A_691 : vector<16xf32>
      %parallel_loop3A_693 = arith.constant 6 : i32
      %parallel_loop3A_694 = arith.index_cast %parallel_loop3A_693 : i32 to index
      %parallel_loop3A_695 = arith.index_cast %parallel_loop3A_663 : i32 to index
      %parallel_loop3A_696 = tpu.vector_load %arg10[%parallel_loop3A_694, %parallel_loop3A_695] {strides = array<i32>} : memref<16x640xf32, #tpu.memory_space<vmem>>, vector<16xf32>,
      %parallel_loop3A_697 = arith.addf %parallel_loop3A_692, %parallel_loop3A_696 : vector<16xf32>
      %parallel_loop3A_698 = arith.constant 7 : i32
      %parallel_loop3A_699 = arith.index_cast %parallel_loop3A_698 : i32 to index
      %parallel_loop3A_700 = arith.index_cast %parallel_loop3A_663 : i32 to index
      %parallel_loop3A_701 = tpu.vector_load %arg10[%parallel_loop3A_699, %parallel_loop3A_700] {strides = array<i32>} : memref<16x640xf32, #tpu.memory_space<vmem>>, vector<16xf32>,
      %parallel_loop3A_702 = arith.addf %parallel_loop3A_697, %parallel_loop3A_701 : vector<16xf32>
      %parallel_loop3A_703 = arith.constant 8 : i32
      %parallel_loop3A_704 = arith.index_cast %parallel_loop3A_703 : i32 to index
      %parallel_loop3A_705 = arith.index_cast %parallel_loop3A_663 : i32 to index
      %parallel_loop3A_706 = tpu.vector_load %arg10[%parallel_loop3A_704, %parallel_loop3A_705] {strides = array<i32>} : memref<16x640xf32, #tpu.memory_space<vmem>>, vector<16xf32>,
      %parallel_loop3A_707 = arith.addf %parallel_loop3A_702, %parallel_loop3A_706 : vector<16xf32>
      %parallel_loop3A_708 = arith.constant 9 : i32
      %parallel_loop3A_709 = arith.index_cast %parallel_loop3A_708 : i32 to index
      %parallel_loop3A_710 = arith.index_cast %parallel_loop3A_663 : i32 to index
      %parallel_loop3A_711 = tpu.vector_load %arg10[%parallel_loop3A_709, %parallel_loop3A_710] {strides = array<i32>} : memref<16x640xf32, #tpu.memory_space<vmem>>, vector<16xf32>,
      %parallel_loop3A_712 = arith.addf %parallel_loop3A_707, %parallel_loop3A_711 : vector<16xf32>
      %parallel_loop3A_713 = arith.constant 10 : i32
      %parallel_loop3A_714 = arith.index_cast %parallel_loop3A_713 : i32 to index
      %parallel_loop3A_715 = arith.index_cast %parallel_loop3A_663 : i32 to index
      %parallel_loop3A_716 = tpu.vector_load %arg10[%parallel_loop3A_714, %parallel_loop3A_715] {strides = array<i32>} : memref<16x640xf32, #tpu.memory_space<vmem>>, vector<16xf32>,
      %parallel_loop3A_717 = arith.addf %parallel_loop3A_712, %parallel_loop3A_716 : vector<16xf32>
      %parallel_loop3A_718 = arith.constant 11 : i32
      %parallel_loop3A_719 = arith.index_cast %parallel_loop3A_718 : i32 to index
      %parallel_loop3A_720 = arith.index_cast %parallel_loop3A_663 : i32 to index
      %parallel_loop3A_721 = tpu.vector_load %arg10[%parallel_loop3A_719, %parallel_loop3A_720] {strides = array<i32>} : memref<16x640xf32, #tpu.memory_space<vmem>>, vector<16xf32>,
      %parallel_loop3A_722 = arith.addf %parallel_loop3A_717, %parallel_loop3A_721 : vector<16xf32>
      %parallel_loop3A_723 = arith.constant 12 : i32
      %parallel_loop3A_724 = arith.index_cast %parallel_loop3A_723 : i32 to index
      %parallel_loop3A_725 = arith.index_cast %parallel_loop3A_663 : i32 to index
      %parallel_loop3A_726 = tpu.vector_load %arg10[%parallel_loop3A_724, %parallel_loop3A_725] {strides = array<i32>} : memref<16x640xf32, #tpu.memory_space<vmem>>, vector<16xf32>,
      %parallel_loop3A_727 = arith.addf %parallel_loop3A_722, %parallel_loop3A_726 : vector<16xf32>
      %parallel_loop3A_728 = arith.constant 13 : i32
      %parallel_loop3A_729 = arith.index_cast %parallel_loop3A_728 : i32 to index
      %parallel_loop3A_730 = arith.index_cast %parallel_loop3A_663 : i32 to index
      %parallel_loop3A_731 = tpu.vector_load %arg10[%parallel_loop3A_729, %parallel_loop3A_730] {strides = array<i32>} : memref<16x640xf32, #tpu.memory_space<vmem>>, vector<16xf32>,
      %parallel_loop3A_732 = arith.addf %parallel_loop3A_727, %parallel_loop3A_731 : vector<16xf32>
      %parallel_loop3A_733 = arith.constant 14 : i32
      %parallel_loop3A_734 = arith.index_cast %parallel_loop3A_733 : i32 to index
      %parallel_loop3A_735 = arith.index_cast %parallel_loop3A_663 : i32 to index
      %parallel_loop3A_736 = tpu.vector_load %arg10[%parallel_loop3A_734, %parallel_loop3A_735] {strides = array<i32>} : memref<16x640xf32, #tpu.memory_space<vmem>>, vector<16xf32>,
      %parallel_loop3A_737 = arith.addf %parallel_loop3A_732, %parallel_loop3A_736 : vector<16xf32>
      %parallel_loop3A_738 = arith.constant 15 : i32
      %parallel_loop3A_739 = arith.index_cast %parallel_loop3A_738 : i32 to index
      %parallel_loop3A_740 = arith.index_cast %parallel_loop3A_663 : i32 to index
      %parallel_loop3A_741 = tpu.vector_load %arg10[%parallel_loop3A_739, %parallel_loop3A_740] {strides = array<i32>} : memref<16x640xf32, #tpu.memory_space<vmem>>, vector<16xf32>,
      %parallel_loop3A_742 = arith.addf %parallel_loop3A_737, %parallel_loop3A_741 : vector<16xf32>
      %parallel_loop3A_743 = arith.index_cast %parallel_loop3A_663 : i32 to index
      %parallel_loop3A_744 = tpu.vector_load %arg9[%parallel_loop3A_743] {strides = array<i32>} : memref<10240xf32, #tpu.memory_space<vmem>>, vector<16xf32>,
      tpu.vector_store %arg9[%parallel_loop3A_743], %parallel_loop3A_742 {strides = array<i32>} : memref<10240xf32, #tpu.memory_space<vmem>>, vector<16xf32>,
    } {sc.loop_unroll_factor = 4 : i64, sc.parallel_access}
    %mul3A_446 = arith.constant 640 : i32
    %mul3A_447 = arith.muli %arg1, %mul3A_446 : i32
    "tpu.region"() ({
      %run_scoped3A = tpu.sem_alloc : memref<!tpu.dma_semaphore, #tpu.memory_space<semaphore_mem>>
      %dma_start3A_663 = arith.constant 0 : i32
      %dma_start3A_664 = tpu.memref_slice %arg9[%dma_start3A_663] : memref<10240xf32, #tpu.memory_space<vmem>> -> memref<640xf32, #tpu.memory_space<vmem>>
      %dma_start3A_665 = tpu.memref_slice %arg14[%mul3A_447] : memref<10240xf32, #tpu.memory_space<vmem_shared>> -> memref<640xf32, #tpu.memory_space<vmem_shared>>
      %dma_start3A_666 = tpu.memref_slice %arg14[%mul3A_447] : memref<10240xf32, #tpu.memory_space<vmem_shared>> -> memref<640xf32, #tpu.memory_space<vmem_shared>>
      %dma_start3A_667 = arith.constant 0 : i32
      %dma_start3A_668 = tpu.memref_slice %arg9[%dma_start3A_667] : memref<10240xf32, #tpu.memory_space<vmem>> -> memref<640xf32, #tpu.memory_space<vmem>>
      tpu.enqueue_dma source(%dma_start3A_668 : memref<640xf32, #tpu.memory_space<vmem>>) target(%dma_start3A_666 : memref<640xf32, #tpu.memory_space<vmem_shared>>) target_semaphore(%run_scoped3A : memref<!tpu.dma_semaphore, #tpu.memory_space<semaphore_mem>>)
      %dma_wait3A_669 = arith.constant 0 : i32
      %dma_wait3A_670 = tpu.memref_slice %arg9[%dma_wait3A_669] : memref<10240xf32, #tpu.memory_space<vmem>> -> memref<640xf32, #tpu.memory_space<vmem>>
      %dma_wait3A_671 = tpu.memref_slice %arg14[%mul3A_447] : memref<10240xf32, #tpu.memory_space<vmem_shared>> -> memref<640xf32, #tpu.memory_space<vmem_shared>>
      %dma_wait3A_672 = tpu.memref_slice %arg14[%mul3A_447] : memref<10240xf32, #tpu.memory_space<vmem_shared>> -> memref<640xf32, #tpu.memory_space<vmem_shared>>
      %dma_wait3A_673 = arith.constant 0 : i32
      %dma_wait3A_674 = tpu.memref_slice %arg9[%dma_wait3A_673] : memref<10240xf32, #tpu.memory_space<vmem>> -> memref<640xf32, #tpu.memory_space<vmem>>
      tpu.wait_dma2 semaphore(%run_scoped3A : memref<!tpu.dma_semaphore, #tpu.memory_space<semaphore_mem>>) src(%dma_wait3A_674 : memref<640xf32, #tpu.memory_space<vmem>>) dst(%dma_wait3A_672 : memref<640xf32, #tpu.memory_space<vmem_shared>>)
      tpu.yield
    }) : () -> ()
    %barrier3A_448 = arith.constant 0 : index
    tpu.barrier barrier_id(%barrier3A_448)
    tpu.enqueue_dma source(%arg14 : memref<10240xf32, #tpu.memory_space<vmem_shared>>) target(%arg9 : memref<10240xf32, #tpu.memory_space<vmem>>) target_semaphore(%arg15 : memref<!tpu.dma_semaphore, #tpu.memory_space<semaphore_mem>>)
    tpu.wait_dma2 semaphore(%arg16 : memref<!tpu.dma_semaphore, #tpu.memory_space<semaphore_mem>>) src(%arg4 : memref<528xf32, #tpu.memory_space<hbm>>) dst(%arg12 : memref<528xf32, #tpu.memory_space<vmem>>)
    %broadcast_in_dim3A_449 = arith.constant 0.000000e+00 : f32
    %broadcast_in_dim3A_450 = vector.broadcast %broadcast_in_dim3A_449 : f32 to vector<16xf32>
    %broadcast_in_dim3A_451 = arith.constant 0.000000e+00 : f32
    %broadcast_in_dim3A_452 = vector.broadcast %broadcast_in_dim3A_451 : f32 to vector<16xf32>
    %broadcast_in_dim3A_453 = arith.constant 0.000000e+00 : f32
    %broadcast_in_dim3A_454 = vector.broadcast %broadcast_in_dim3A_453 : f32 to vector<16xf32>
    %get3A = arith.constant 0 : index
    %get3A_455 = tpu.vector_load %arg12[%get3A] {strides = array<i32>} : memref<528xf32, #tpu.memory_space<vmem>>, vector<16xf32>,
    %get3A_456 = arith.constant 128 : index
    %get3A_457 = tpu.vector_load %arg12[%get3A_456] {strides = array<i32>} : memref<528xf32, #tpu.memory_space<vmem>>, vector<16xf32>,
    %get3A_458 = arith.constant 256 : index
    %get3A_459 = tpu.vector_load %arg12[%get3A_458] {strides = array<i32>} : memref<528xf32, #tpu.memory_space<vmem>>, vector<16xf32>,
    %get3A_460 = arith.constant 384 : index
    %get3A_461 = tpu.vector_load %arg12[%get3A_460] {strides = array<i32>} : memref<528xf32, #tpu.memory_space<vmem>>, vector<16xf32>,
    %mul3A_462 = arith.mulf %get3A_455, %get3A_457 : vector<16xf32>
    %add3A = arith.addf %broadcast_in_dim3A_450, %mul3A_462 : vector<16xf32>
    %mul3A_463 = arith.mulf %get3A_455, %get3A_459 : vector<16xf32>
    %add3A_464 = arith.addf %broadcast_in_dim3A_452, %mul3A_463 : vector<16xf32>
    %add3A_465 = arith.addf %get3A_457, %get3A_459 : vector<16xf32>
    %mul3A_466 = arith.mulf %get3A_461, %add3A_465 : vector<16xf32>
    %add3A_467 = arith.addf %broadcast_in_dim3A_454, %mul3A_466 : vector<16xf32>
    %get3A_468 = arith.constant 16 : index
    %get3A_469 = tpu.vector_load %arg12[%get3A_468] {strides = array<i32>} : memref<528xf32, #tpu.memory_space<vmem>>, vector<16xf32>,
    %get3A_470 = arith.constant 144 : index
    %get3A_471 = tpu.vector_load %arg12[%get3A_470] {strides = array<i32>} : memref<528xf32, #tpu.memory_space<vmem>>, vector<16xf32>,
    %get3A_472 = arith.constant 272 : index
    %get3A_473 = tpu.vector_load %arg12[%get3A_472] {strides = array<i32>} : memref<528xf32, #tpu.memory_space<vmem>>, vector<16xf32>,
    %get3A_474 = arith.constant 400 : index
    %get3A_475 = tpu.vector_load %arg12[%get3A_474] {strides = array<i32>} : memref<528xf32, #tpu.memory_space<vmem>>, vector<16xf32>,
    %mul3A_476 = arith.mulf %get3A_469, %get3A_471 : vector<16xf32>
    %add3A_477 = arith.addf %add3A, %mul3A_476 : vector<16xf32>
    %mul3A_478 = arith.mulf %get3A_469, %get3A_473 : vector<16xf32>
    %add3A_479 = arith.addf %add3A_464, %mul3A_478 : vector<16xf32>
    %add3A_480 = arith.addf %get3A_471, %get3A_473 : vector<16xf32>
    %mul3A_481 = arith.mulf %get3A_475, %add3A_480 : vector<16xf32>
    %add3A_482 = arith.addf %add3A_467, %mul3A_481 : vector<16xf32>
    %get3A_483 = arith.constant 32 : index
    %get3A_484 = tpu.vector_load %arg12[%get3A_483] {strides = array<i32>} : memref<528xf32, #tpu.memory_space<vmem>>, vector<16xf32>,
    %get3A_485 = arith.constant 160 : index
    %get3A_486 = tpu.vector_load %arg12[%get3A_485] {strides = array<i32>} : memref<528xf32, #tpu.memory_space<vmem>>, vector<16xf32>,
    %get3A_487 = arith.constant 288 : index
    %get3A_488 = tpu.vector_load %arg12[%get3A_487] {strides = array<i32>} : memref<528xf32, #tpu.memory_space<vmem>>, vector<16xf32>,
    %get3A_489 = arith.constant 416 : index
    %get3A_490 = tpu.vector_load %arg12[%get3A_489] {strides = array<i32>} : memref<528xf32, #tpu.memory_space<vmem>>, vector<16xf32>,
    %mul3A_491 = arith.mulf %get3A_484, %get3A_486 : vector<16xf32>
    %add3A_492 = arith.addf %add3A_477, %mul3A_491 : vector<16xf32>
    %mul3A_493 = arith.mulf %get3A_484, %get3A_488 : vector<16xf32>
    %add3A_494 = arith.addf %add3A_479, %mul3A_493 : vector<16xf32>
    %add3A_495 = arith.addf %get3A_486, %get3A_488 : vector<16xf32>
    %mul3A_496 = arith.mulf %get3A_490, %add3A_495 : vector<16xf32>
    %add3A_497 = arith.addf %add3A_482, %mul3A_496 : vector<16xf32>
    %get3A_498 = arith.constant 48 : index
    %get3A_499 = tpu.vector_load %arg12[%get3A_498] {strides = array<i32>} : memref<528xf32, #tpu.memory_space<vmem>>, vector<16xf32>,
    %get3A_500 = arith.constant 176 : index
    %get3A_501 = tpu.vector_load %arg12[%get3A_500] {strides = array<i32>} : memref<528xf32, #tpu.memory_space<vmem>>, vector<16xf32>,
    %get3A_502 = arith.constant 304 : index
    %get3A_503 = tpu.vector_load %arg12[%get3A_502] {strides = array<i32>} : memref<528xf32, #tpu.memory_space<vmem>>, vector<16xf32>,
    %get3A_504 = arith.constant 432 : index
    %get3A_505 = tpu.vector_load %arg12[%get3A_504] {strides = array<i32>} : memref<528xf32, #tpu.memory_space<vmem>>, vector<16xf32>,
    %mul3A_506 = arith.mulf %get3A_499, %get3A_501 : vector<16xf32>
    %add3A_507 = arith.addf %add3A_492, %mul3A_506 : vector<16xf32>
    %mul3A_508 = arith.mulf %get3A_499, %get3A_503 : vector<16xf32>
    %add3A_509 = arith.addf %add3A_494, %mul3A_508 : vector<16xf32>
    %add3A_510 = arith.addf %get3A_501, %get3A_503 : vector<16xf32>
    %mul3A_511 = arith.mulf %get3A_505, %add3A_510 : vector<16xf32>
    %add3A_512 = arith.addf %add3A_497, %mul3A_511 : vector<16xf32>
    %get3A_513 = arith.constant 64 : index
    %get3A_514 = tpu.vector_load %arg12[%get3A_513] {strides = array<i32>} : memref<528xf32, #tpu.memory_space<vmem>>, vector<16xf32>,
    %get3A_515 = arith.constant 192 : index
    %get3A_516 = tpu.vector_load %arg12[%get3A_515] {strides = array<i32>} : memref<528xf32, #tpu.memory_space<vmem>>, vector<16xf32>,
    %get3A_517 = arith.constant 320 : index
    %get3A_518 = tpu.vector_load %arg12[%get3A_517] {strides = array<i32>} : memref<528xf32, #tpu.memory_space<vmem>>, vector<16xf32>,
    %get3A_519 = arith.constant 448 : index
    %get3A_520 = tpu.vector_load %arg12[%get3A_519] {strides = array<i32>} : memref<528xf32, #tpu.memory_space<vmem>>, vector<16xf32>,
    %mul3A_521 = arith.mulf %get3A_514, %get3A_516 : vector<16xf32>
    %add3A_522 = arith.addf %add3A_507, %mul3A_521 : vector<16xf32>
    %mul3A_523 = arith.mulf %get3A_514, %get3A_518 : vector<16xf32>
    %add3A_524 = arith.addf %add3A_509, %mul3A_523 : vector<16xf32>
    %add3A_525 = arith.addf %get3A_516, %get3A_518 : vector<16xf32>
    %mul3A_526 = arith.mulf %get3A_520, %add3A_525 : vector<16xf32>
    %add3A_527 = arith.addf %add3A_512, %mul3A_526 : vector<16xf32>
    %get3A_528 = arith.constant 80 : index
    %get3A_529 = tpu.vector_load %arg12[%get3A_528] {strides = array<i32>} : memref<528xf32, #tpu.memory_space<vmem>>, vector<16xf32>,
    %get3A_530 = arith.constant 208 : index
    %get3A_531 = tpu.vector_load %arg12[%get3A_530] {strides = array<i32>} : memref<528xf32, #tpu.memory_space<vmem>>, vector<16xf32>,
    %get3A_532 = arith.constant 336 : index
    %get3A_533 = tpu.vector_load %arg12[%get3A_532] {strides = array<i32>} : memref<528xf32, #tpu.memory_space<vmem>>, vector<16xf32>,
    %get3A_534 = arith.constant 464 : index
    %get3A_535 = tpu.vector_load %arg12[%get3A_534] {strides = array<i32>} : memref<528xf32, #tpu.memory_space<vmem>>, vector<16xf32>,
    %mul3A_536 = arith.mulf %get3A_529, %get3A_531 : vector<16xf32>
    %add3A_537 = arith.addf %add3A_522, %mul3A_536 : vector<16xf32>
    %mul3A_538 = arith.mulf %get3A_529, %get3A_533 : vector<16xf32>
    %add3A_539 = arith.addf %add3A_524, %mul3A_538 : vector<16xf32>
    %add3A_540 = arith.addf %get3A_531, %get3A_533 : vector<16xf32>
    %mul3A_541 = arith.mulf %get3A_535, %add3A_540 : vector<16xf32>
    %add3A_542 = arith.addf %add3A_527, %mul3A_541 : vector<16xf32>
    %get3A_543 = arith.constant 96 : index
    %get3A_544 = tpu.vector_load %arg12[%get3A_543] {strides = array<i32>} : memref<528xf32, #tpu.memory_space<vmem>>, vector<16xf32>,
    %get3A_545 = arith.constant 224 : index
    %get3A_546 = tpu.vector_load %arg12[%get3A_545] {strides = array<i32>} : memref<528xf32, #tpu.memory_space<vmem>>, vector<16xf32>,
    %get3A_547 = arith.constant 352 : index
    %get3A_548 = tpu.vector_load %arg12[%get3A_547] {strides = array<i32>} : memref<528xf32, #tpu.memory_space<vmem>>, vector<16xf32>,
    %get3A_549 = arith.constant 480 : index
    %get3A_550 = tpu.vector_load %arg12[%get3A_549] {strides = array<i32>} : memref<528xf32, #tpu.memory_space<vmem>>, vector<16xf32>,
    %mul3A_551 = arith.mulf %get3A_544, %get3A_546 : vector<16xf32>
    %add3A_552 = arith.addf %add3A_537, %mul3A_551 : vector<16xf32>
    %mul3A_553 = arith.mulf %get3A_544, %get3A_548 : vector<16xf32>
    %add3A_554 = arith.addf %add3A_539, %mul3A_553 : vector<16xf32>
    %add3A_555 = arith.addf %get3A_546, %get3A_548 : vector<16xf32>
    %mul3A_556 = arith.mulf %get3A_550, %add3A_555 : vector<16xf32>
    %add3A_557 = arith.addf %add3A_542, %mul3A_556 : vector<16xf32>
    %get3A_558 = arith.constant 112 : index
    %get3A_559 = tpu.vector_load %arg12[%get3A_558] {strides = array<i32>} : memref<528xf32, #tpu.memory_space<vmem>>, vector<16xf32>,
    %get3A_560 = arith.constant 240 : index
    %get3A_561 = tpu.vector_load %arg12[%get3A_560] {strides = array<i32>} : memref<528xf32, #tpu.memory_space<vmem>>, vector<16xf32>,
    %get3A_562 = arith.constant 368 : index
    %get3A_563 = tpu.vector_load %arg12[%get3A_562] {strides = array<i32>} : memref<528xf32, #tpu.memory_space<vmem>>, vector<16xf32>,
    %get3A_564 = arith.constant 496 : index
    %get3A_565 = tpu.vector_load %arg12[%get3A_564] {strides = array<i32>} : memref<528xf32, #tpu.memory_space<vmem>>, vector<16xf32>,
    %mul3A_566 = arith.mulf %get3A_559, %get3A_561 : vector<16xf32>
    %add3A_567 = arith.addf %add3A_552, %mul3A_566 : vector<16xf32>
    %mul3A_568 = arith.mulf %get3A_559, %get3A_563 : vector<16xf32>
    %add3A_569 = arith.addf %add3A_554, %mul3A_568 : vector<16xf32>
    %add3A_570 = arith.addf %get3A_561, %get3A_563 : vector<16xf32>
    %mul3A_571 = arith.mulf %get3A_565, %add3A_570 : vector<16xf32>
    %add3A_572 = arith.addf %add3A_557, %mul3A_571 : vector<16xf32>
    %get3A_573 = arith.constant 512 : index
    %get3A_574 = tpu.vector_load %arg12[%get3A_573] {strides = array<i32>} : memref<528xf32, #tpu.memory_space<vmem>>, vector<16xf32>,
    %add3A_575 = arith.addf %add3A_572, %get3A_574 : vector<16xf32>
    %iota3A = tpu.iota {dimensions = array<i32: 0>} : vector<16xi32>
    %xor3A = arith.constant 8 : i32
    %xor3A_576 = vector.broadcast %xor3A : i32 to vector<16xi32>
    %xor3A_577 = arith.xori %iota3A, %xor3A_576 : vector<16xi32>
    %broadcast_in_dim3A_578 = vector.shape_cast %xor3A_577 : vector<16xi32> to vector<16x1xi32>
    %gather3A = vector.shape_cast %broadcast_in_dim3A_578 : vector<16x1xi32> to vector<16xi32>
    %gather3A_579 = tpu.dynamic_gather %add3A_567[%gather3A] in [0] : vector<16xf32>, vector<16xi32> -> vector<16xf32>
    %add3A_580 = arith.addf %add3A_567, %gather3A_579 : vector<16xf32>
    %xor3A_581 = arith.constant 4 : i32
    %xor3A_582 = vector.broadcast %xor3A_581 : i32 to vector<16xi32>
    %xor3A_583 = arith.xori %iota3A, %xor3A_582 : vector<16xi32>
    %broadcast_in_dim3A_584 = vector.shape_cast %xor3A_583 : vector<16xi32> to vector<16x1xi32>
    %gather3A_585 = vector.shape_cast %broadcast_in_dim3A_584 : vector<16x1xi32> to vector<16xi32>
    %gather3A_586 = tpu.dynamic_gather %add3A_580[%gather3A_585] in [0] : vector<16xf32>, vector<16xi32> -> vector<16xf32>
    %add3A_587 = arith.addf %add3A_580, %gather3A_586 : vector<16xf32>
    %xor3A_588 = arith.constant 2 : i32
    %xor3A_589 = vector.broadcast %xor3A_588 : i32 to vector<16xi32>
    %xor3A_590 = arith.xori %iota3A, %xor3A_589 : vector<16xi32>
    %broadcast_in_dim3A_591 = vector.shape_cast %xor3A_590 : vector<16xi32> to vector<16x1xi32>
    %gather3A_592 = vector.shape_cast %broadcast_in_dim3A_591 : vector<16x1xi32> to vector<16xi32>
    %gather3A_593 = tpu.dynamic_gather %add3A_587[%gather3A_592] in [0] : vector<16xf32>, vector<16xi32> -> vector<16xf32>
    %add3A_594 = arith.addf %add3A_587, %gather3A_593 : vector<16xf32>
    %xor3A_595 = arith.constant 1 : i32
    %xor3A_596 = vector.broadcast %xor3A_595 : i32 to vector<16xi32>
    %xor3A_597 = arith.xori %iota3A, %xor3A_596 : vector<16xi32>
    %broadcast_in_dim3A_598 = vector.shape_cast %xor3A_597 : vector<16xi32> to vector<16x1xi32>
    %gather3A_599 = vector.shape_cast %broadcast_in_dim3A_598 : vector<16x1xi32> to vector<16xi32>
    %gather3A_600 = tpu.dynamic_gather %add3A_594[%gather3A_599] in [0] : vector<16xf32>, vector<16xi32> -> vector<16xf32>
    %add3A_601 = arith.addf %add3A_594, %gather3A_600 : vector<16xf32>
    %xor3A_602 = arith.constant 8 : i32
    %xor3A_603 = vector.broadcast %xor3A_602 : i32 to vector<16xi32>
    %xor3A_604 = arith.xori %iota3A, %xor3A_603 : vector<16xi32>
    %broadcast_in_dim3A_605 = vector.shape_cast %xor3A_604 : vector<16xi32> to vector<16x1xi32>
    %gather3A_606 = vector.shape_cast %broadcast_in_dim3A_605 : vector<16x1xi32> to vector<16xi32>
    %gather3A_607 = tpu.dynamic_gather %add3A_569[%gather3A_606] in [0] : vector<16xf32>, vector<16xi32> -> vector<16xf32>
    %add3A_608 = arith.addf %add3A_569, %gather3A_607 : vector<16xf32>
    %xor3A_609 = arith.constant 4 : i32
    %xor3A_610 = vector.broadcast %xor3A_609 : i32 to vector<16xi32>
    %xor3A_611 = arith.xori %iota3A, %xor3A_610 : vector<16xi32>
    %broadcast_in_dim3A_612 = vector.shape_cast %xor3A_611 : vector<16xi32> to vector<16x1xi32>
    %gather3A_613 = vector.shape_cast %broadcast_in_dim3A_612 : vector<16x1xi32> to vector<16xi32>
    %gather3A_614 = tpu.dynamic_gather %add3A_608[%gather3A_613] in [0] : vector<16xf32>, vector<16xi32> -> vector<16xf32>
    %add3A_615 = arith.addf %add3A_608, %gather3A_614 : vector<16xf32>
    %xor3A_616 = arith.constant 2 : i32
    %xor3A_617 = vector.broadcast %xor3A_616 : i32 to vector<16xi32>
    %xor3A_618 = arith.xori %iota3A, %xor3A_617 : vector<16xi32>
    %broadcast_in_dim3A_619 = vector.shape_cast %xor3A_618 : vector<16xi32> to vector<16x1xi32>
    %gather3A_620 = vector.shape_cast %broadcast_in_dim3A_619 : vector<16x1xi32> to vector<16xi32>
    %gather3A_621 = tpu.dynamic_gather %add3A_615[%gather3A_620] in [0] : vector<16xf32>, vector<16xi32> -> vector<16xf32>
    %add3A_622 = arith.addf %add3A_615, %gather3A_621 : vector<16xf32>
    %xor3A_623 = arith.constant 1 : i32
    %xor3A_624 = vector.broadcast %xor3A_623 : i32 to vector<16xi32>
    %xor3A_625 = arith.xori %iota3A, %xor3A_624 : vector<16xi32>
    %broadcast_in_dim3A_626 = vector.shape_cast %xor3A_625 : vector<16xi32> to vector<16x1xi32>
    %gather3A_627 = vector.shape_cast %broadcast_in_dim3A_626 : vector<16x1xi32> to vector<16xi32>
    %gather3A_628 = tpu.dynamic_gather %add3A_622[%gather3A_627] in [0] : vector<16xf32>, vector<16xi32> -> vector<16xf32>
    %add3A_629 = arith.addf %add3A_622, %gather3A_628 : vector<16xf32>
    %xor3A_630 = arith.constant 8 : i32
    %xor3A_631 = vector.broadcast %xor3A_630 : i32 to vector<16xi32>
    %xor3A_632 = arith.xori %iota3A, %xor3A_631 : vector<16xi32>
    %broadcast_in_dim3A_633 = vector.shape_cast %xor3A_632 : vector<16xi32> to vector<16x1xi32>
    %gather3A_634 = vector.shape_cast %broadcast_in_dim3A_633 : vector<16x1xi32> to vector<16xi32>
    %gather3A_635 = tpu.dynamic_gather %add3A_575[%gather3A_634] in [0] : vector<16xf32>, vector<16xi32> -> vector<16xf32>
    %add3A_636 = arith.addf %add3A_575, %gather3A_635 : vector<16xf32>
    %xor3A_637 = arith.constant 4 : i32
    %xor3A_638 = vector.broadcast %xor3A_637 : i32 to vector<16xi32>
    %xor3A_639 = arith.xori %iota3A, %xor3A_638 : vector<16xi32>
    %broadcast_in_dim3A_640 = vector.shape_cast %xor3A_639 : vector<16xi32> to vector<16x1xi32>
    %gather3A_641 = vector.shape_cast %broadcast_in_dim3A_640 : vector<16x1xi32> to vector<16xi32>
    %gather3A_642 = tpu.dynamic_gather %add3A_636[%gather3A_641] in [0] : vector<16xf32>, vector<16xi32> -> vector<16xf32>
    %add3A_643 = arith.addf %add3A_636, %gather3A_642 : vector<16xf32>
    %xor3A_644 = arith.constant 2 : i32
    %xor3A_645 = vector.broadcast %xor3A_644 : i32 to vector<16xi32>
    %xor3A_646 = arith.xori %iota3A, %xor3A_645 : vector<16xi32>
    %broadcast_in_dim3A_647 = vector.shape_cast %xor3A_646 : vector<16xi32> to vector<16x1xi32>
    %gather3A_648 = vector.shape_cast %broadcast_in_dim3A_647 : vector<16x1xi32> to vector<16xi32>
    %gather3A_649 = tpu.dynamic_gather %add3A_643[%gather3A_648] in [0] : vector<16xf32>, vector<16xi32> -> vector<16xf32>
    %add3A_650 = arith.addf %add3A_643, %gather3A_649 : vector<16xf32>
    %xor3A_651 = arith.constant 1 : i32
    %xor3A_652 = vector.broadcast %xor3A_651 : i32 to vector<16xi32>
    %xor3A_653 = arith.xori %iota3A, %xor3A_652 : vector<16xi32>
    %broadcast_in_dim3A_654 = vector.shape_cast %xor3A_653 : vector<16xi32> to vector<16x1xi32>
    %gather3A_655 = vector.shape_cast %broadcast_in_dim3A_654 : vector<16x1xi32> to vector<16xi32>
    %gather3A_656 = tpu.dynamic_gather %add3A_650[%gather3A_655] in [0] : vector<16xf32>, vector<16xi32> -> vector<16xf32>
    %add3A_657 = arith.addf %add3A_650, %gather3A_656 : vector<16xf32>
    tpu.wait_dma2 semaphore(%arg15 : memref<!tpu.dma_semaphore, #tpu.memory_space<semaphore_mem>>) src(%arg14 : memref<10240xf32, #tpu.memory_space<vmem_shared>>) dst(%arg9 : memref<10240xf32, #tpu.memory_space<vmem>>)
    %parallel_loop3A_658 = arith.constant 0 : i32
    %parallel_loop3A_659 = arith.constant 20000 : i32
    %parallel_loop3A_660 = arith.constant 16 : i32
    scf.for %parallel_loop3A_663 = %parallel_loop3A_658 to %parallel_loop3A_659 step %parallel_loop3A_660  : i32 {
      %parallel_loop3A_664 = arith.index_cast %parallel_loop3A_663 : i32 to index
      %parallel_loop3A_665 = tpu.vector_load %arg7[%parallel_loop3A_664] {strides = array<i32>} : memref<20000xi32, #tpu.memory_space<vmem>>, vector<16xi32>,
      %parallel_loop3A_666 = tpu.vector_load_idx %arg9[%parallel_loop3A_665] : memref<10240xf32, #tpu.memory_space<vmem>>[vector<16xi32>], vector<16xf32>,
      %parallel_loop3A_667 = arith.index_cast %parallel_loop3A_663 : i32 to index
      %parallel_loop3A_668 = tpu.vector_load %arg8[%parallel_loop3A_667] {strides = array<i32>} : memref<20000xi32, #tpu.memory_space<vmem>>, vector<16xi32>,
      %parallel_loop3A_669 = tpu.vector_load_idx %arg9[%parallel_loop3A_668] : memref<10240xf32, #tpu.memory_space<vmem>>[vector<16xi32>], vector<16xf32>,
      %parallel_loop3A_670 = arith.mulf %add3A_601, %parallel_loop3A_666 : vector<16xf32>
      %parallel_loop3A_671 = arith.mulf %add3A_629, %parallel_loop3A_669 : vector<16xf32>
      %parallel_loop3A_672 = arith.addf %parallel_loop3A_670, %parallel_loop3A_671 : vector<16xf32>
      %parallel_loop3A_673 = arith.addf %parallel_loop3A_672, %add3A_657 : vector<16xf32>
      %parallel_loop3A_674 = arith.index_cast %parallel_loop3A_663 : i32 to index
      %parallel_loop3A_675 = tpu.vector_load %arg11[%parallel_loop3A_674] {strides = array<i32>} : memref<20000xf32, #tpu.memory_space<vmem>>, vector<16xf32>,
      tpu.vector_store %arg11[%parallel_loop3A_674], %parallel_loop3A_673 {strides = array<i32>} : memref<20000xf32, #tpu.memory_space<vmem>>, vector<16xf32>,
    } {sc.loop_unroll_factor = 10 : i64, sc.parallel_access}
    %mul3A_661 = arith.constant 20000 : i32
    %mul3A_662 = arith.muli %arg1, %mul3A_661 : i32
    "tpu.region"() ({
      %run_scoped3A = tpu.sem_alloc : memref<!tpu.dma_semaphore, #tpu.memory_space<semaphore_mem>>
      %dma_start3A_663 = tpu.memref_slice %arg5[%mul3A_662] : memref<320000xf32, #tpu.memory_space<hbm>> -> memref<20000xf32, #tpu.memory_space<hbm>>
      %dma_start3A_664 = tpu.memref_slice %arg5[%mul3A_662] : memref<320000xf32, #tpu.memory_space<hbm>> -> memref<20000xf32, #tpu.memory_space<hbm>>
      tpu.enqueue_dma source(%arg11 : memref<20000xf32, #tpu.memory_space<vmem>>) target(%dma_start3A_664 : memref<20000xf32, #tpu.memory_space<hbm>>) target_semaphore(%run_scoped3A : memref<!tpu.dma_semaphore, #tpu.memory_space<semaphore_mem>>)
      %dma_wait3A_665 = tpu.memref_slice %arg5[%mul3A_662] : memref<320000xf32, #tpu.memory_space<hbm>> -> memref<20000xf32, #tpu.memory_space<hbm>>
      %dma_wait3A_666 = tpu.memref_slice %arg5[%mul3A_662] : memref<320000xf32, #tpu.memory_space<hbm>> -> memref<20000xf32, #tpu.memory_space<hbm>>
      tpu.wait_dma2 semaphore(%run_scoped3A : memref<!tpu.dma_semaphore, #tpu.memory_space<semaphore_mem>>) src(%arg11 : memref<20000xf32, #tpu.memory_space<vmem>>) dst(%dma_wait3A_666 : memref<20000xf32, #tpu.memory_space<hbm>>)
      tpu.yield
    }) : () -> ()
    return
  }
}

</mosaic_0001>

<sc_bundles>
// kernel: kernel.3.cloned.1.call-start
scs
__scs_entry_jumppad:
0x0: {  	(pc) =	sbr.rel $0x88, $3  }
0x1: {  	(tag) =	ssettag $0x0;
	lr =	simm.s32 $0x1  }
0x2: {  	[smem:$0x3F9B] =	sst lr;
	_ =	strace $0xD0000000  }
0x3: {  	_ = 	snop  }
0x4: {  	_ = 	snop  }
0x5: {  	_ = 	snop  }
0x6: {  	_ = 	snop  }
0x7: {  	_ = 	snop  }
__scs_overlays_trampoline_lowered:
0x8: {  	[smem:$0x3FAA] =	sst s0  }
0x9: {  	[smem:$0x3FAB] =	sst s1  }
0xa: {  	[smem:$0x3FAC] =	sst s2  }
0xb: {  	[smem:$0x3FAD] =	sst s3  }
0xc: {  	[smem:$0x3FAE] =	sst s4  }
0xd: {  	[smem:$0x3FAF] =	sst s5  }
0xe: {  	[smem:$0x3FB0] =	sst s6  }
0xf: {  	[smem:$0x3FB1] =	sst s7  }
0x10: {  	[smem:$0x3FB2] =	sst s8  }
0x11: {  	[smem:$0x3FB3] =	sst s9;
	s0 =	simm.s32 @!p0 $0x0  }
0x12: {  	s1 =	sld [smem:$0x3F99];
	s0 =	simm.s32 @p0 $0x1  }
0x13: {  	[smem:$0x3FB4] =	sst s0;
	s0 =	simm.s32 @!p1 $0x0  }
0x14: {  	s2 =	sld [smem:$0x3F98];
	s0 =	simm.s32 @p1 $0x1  }
0x15: {  	[smem:$0x3FB5] =	sst s0;
	s0 =	simm.s32 @!p2 $0x0  }
0x16: {  	s3 =	sld [smem:$0x3FDB];
	s0 =	simm.s32 @p2 $0x1  }
0x17: {  	s4 =	simm.s32 $0x1BF5;
	[smem:$0x3FB7] =	sst s0  }
0x18: {  	s0 =	sld [smem:$0x3F9A];
	_ =	swait.ge [sflag:s4], $0x0  }
0x19: {  	s7 =	sld [smem:$0x3F9B]  }
0x1a: {  	s8 =	sadd.s32 $0xFFFFE003, lr  }
0x1b: {  	s9 =	sadd.s32 $0xFFFFFEF7, lr;
	s5 =	simm.s32 $0xFFFFFFFF;
	p2 =	slt.u32 s8, $0xFFFFF086  }
0x1c: {  	p1 =	slt.u32 s9, $0xF7A;
	s5 =	simm.s32 @!p2 $0x0  }
0x1d: {  	s5 =	simm.s32 @p1 $0x1;
	p0 =	seq.s32 s7, s2  }
0x1e: {  	s7 =	smul.u32 @!p0 $0xF7A, s2;
	p2 =	seq.s32 @!p0 s5, $0x0  }
0x1f: {  	s9 =	smul.u32 $0xF7A, s1;
	s8 =	simm.s32 @!p0 $0x1BF5;
	p2 =	por !p2, p0  }
0x20: {  	[sflag:s8] =	ssyncset.s32 @!p0 $0xFFFFF086;
	s6 =	sadd.s32 @!p0 s3, s7;
	s7 =	simm.s32 @!p0 $0x108  }
0x21: {  	s3 =	sadd.s32 s3, s9;
	s6 =	sadd.s32 @!p0 $0x88, s6;
	s7 =	simm.s32 @p2 $0x1082  }
0x22: {  	[simem:s7], [sflag:s8] =	dma.local @!p0 [hbm:s6], $0xF7A  }
0x23: {  	s9 =	sor.u32 $0xD0000000, s2;
	s6 =	simm.s32 $0x108;
	_ =	swait.ge @!p0 [sflag:s8], $0x0  }
0x24: {  	s3 =	sadd.s32 $0x88, s3;
	s6 =	simm.s32 @!p1 $0x1082;
	[sflag:s4] =	ssyncset.s32 $0xFFFFF086  }
0x25: {  	[simem:s6], [sflag:s4] =	dma.local [hbm:s3], $0xF7A  }
0x26: {  	[smem:$0x3F9B] =	sst s1;
	(tag) =	ssettag s2;
	_ =	strace s9  }
0x27: {  	s1 =	sld [smem:$0x3FAB]  }
0x28: {  	s2 =	sld [smem:$0x3FAC]  }
0x29: {  	s4 =	sld [smem:$0x3FAE]  }
0x2a: {  	p0 =	seq.s32 s5, $0x0;
	s5 =	sld [smem:$0x3FAF]  }
0x2b: {  	s6 =	sld [smem:$0x3FB0]  }
0x2c: {  	s7 =	sld [smem:$0x3FB1]  }
0x2d: {  	s3 =	simm.s32 $0x108;
	s8 =	sld [smem:$0x3FB2]  }
0x2e: {  	s3 =	simm.s32 @!p0 $0x1082;
	s9 =	sld [smem:$0x3FB3]  }
0x2f: {  	lr =	sadd.s32 s0, s3;
	s0 =	sld [smem:$0x3FAA]  }
0x30: {  	s3 =	sld [smem:$0x3FAD]  }
0x31: {  	[smem:$0x3FB6] =	sst s10  }
0x32: {  	s10 =	sld [smem:$0x3FB4];
	_ =	sdelay $0x3  }
0x33: {  	p0 =	seq.s32 s10, $0x1;
	s10 =	sld [smem:$0x3FB6];
	_ =	sdelay $0x3  }
0x34: {  	[smem:$0x3FB6] =	sst s10  }
0x35: {  	s10 =	sld [smem:$0x3FB5];
	_ =	sdelay $0x3  }
0x36: {  	p1 =	seq.s32 s10, $0x1;
	s10 =	sld [smem:$0x3FB6];
	_ =	sdelay $0x3  }
0x37: {  	[smem:$0x3FB6] =	sst s10  }
0x38: {  	s10 =	sld [smem:$0x3FB7]  }
0x39: {  	_ = 	snop;
	(pc) =	sbr.ind lr, $3  }
0x3a: {  	_ = 	snop  }
0x3b: {  	_ = 	snop  }
0x3c: {  	p2 =	seq.s32 s10, $0x1;
	s10 =	sld [smem:$0x3FB6]  }
0x3d: {  	_ =	shalt  }
0x3e: {  	_ =	shalt  }
0x3f: {  	_ =	shalt  }
0x40: {  	_ =	shalt  }
0x41: {  	_ =	shalt  }
0x42: {  	_ =	shalt  }
0x43: {  	_ =	shalt  }
0x44: {  	_ =	shalt  }
0x45: {  	_ =	shalt  }
0x46: {  	_ =	shalt  }
0x47: {  	_ =	shalt  }
0x48: {  	_ =	shalt  }
0x49: {  	_ =	shalt  }
0x4a: {  	_ =	shalt  }
0x4b: {  	_ =	shalt  }
0x4c: {  	_ =	shalt  }
0x4d: {  	_ =	shalt  }
0x4e: {  	_ =	shalt  }
0x4f: {  	_ =	shalt  }
0x50: {  	_ =	shalt  }
0x51: {  	_ =	shalt  }
0x52: {  	_ =	shalt  }
0x53: {  	_ =	shalt  }
0x54: {  	_ =	shalt  }
0x55: {  	_ =	shalt  }
0x56: {  	_ =	shalt  }
0x57: {  	_ =	shalt  }
0x58: {  	_ =	shalt  }
0x59: {  	_ =	shalt  }
0x5a: {  	_ =	shalt  }
0x5b: {  	_ =	shalt  }
0x5c: {  	_ =	shalt  }
0x5d: {  	_ =	shalt  }
0x5e: {  	_ =	shalt  }
0x5f: {  	_ =	shalt  }
0x60: {  	_ =	shalt  }
0x61: {  	_ =	shalt  }
0x62: {  	_ =	shalt  }
0x63: {  	_ =	shalt  }
0x64: {  	_ =	shalt  }
0x65: {  	_ =	shalt  }
0x66: {  	_ =	shalt  }
0x67: {  	_ =	shalt  }
0x68: {  	_ =	shalt  }
0x69: {  	_ =	shalt  }
0x6a: {  	_ =	shalt  }
0x6b: {  	_ =	shalt  }
0x6c: {  	_ =	shalt  }
0x6d: {  	_ =	shalt  }
0x6e: {  	_ =	shalt  }
0x6f: {  	_ =	shalt  }
0x70: {  	_ =	shalt  }
0x71: {  	_ =	shalt  }
0x72: {  	_ =	shalt  }
0x73: {  	_ =	shalt  }
0x74: {  	_ =	shalt  }
0x75: {  	_ =	shalt  }
0x76: {  	_ =	shalt  }
0x77: {  	_ =	shalt  }
0x78: {  	_ =	shalt  }
0x79: {  	_ =	shalt  }
0x7a: {  	_ =	shalt  }
0x7b: {  	_ =	shalt  }
0x7c: {  	_ =	shalt  }
0x7d: {  	_ =	shalt  }
0x7e: {  	_ =	shalt  }
0x7f: {  	_ =	shalt  }
0x80: {  	_ =	shalt  }
0x81: {  	_ =	shalt  }
0x82: {  	_ =	shalt  }
0x83: {  	_ =	shalt  }
0x84: {  	_ =	shalt  }
0x85: {  	_ =	shalt  }
0x86: {  	_ =	shalt  }
0x87: {  	_ =	shalt  }
.Lfunc_end0:
.L_simem_size_0:
called_computation_lowered:
.L_overlay_start_0:
0x88: {  	s0 =	sld [smem:$0x3FD9]  }
0x89: {  	s1 =	sld [smem:$0x3FFE];
	_ =	sdelay $0x3  }
0x8a: {  	s0 =	sadd.s32 s1, s0  }
0x8b: {  	[smem:$0x3FC2] =	sst s0  }
0x8c: {  	_ = 	snop  }
0x8d: {  	s0 =	sld [smem:$0x3FD0];
	(tm) =	ssettm $0x1  }
0x8e: {  	s16 =	sld [smem:$0x3FFB];
	_ =	sdelay $0x3  }
0x8f: {  	_ =	strace s16  }
0x90: {  	s1 =	sld [smem:$0x3FFC];
	_ =	sdelay $0x3  }
0x91: {  	_ =	strace s1  }
0x92: {  	s1 =	sld [smem:$0x3FFD];
	_ =	sdelay $0x3  }
0x93: {  	_ =	strace s1  }
0x94: {  	_ =	strace $0x8FFFFFFF  }
0x95: {  	s17 =	sld [smem:$0x3FDB];
	_ =	sdelay $0x1  }
0x96: {  	s2 =	simm.s32 $_scs_section_size  }
0x97: {  	s3 =	simm.s32 $_size__tile_overlayer_lowered;
	s4 =	simm.s32 $_tile_overlayer_lowered  }
0x98: {  	s20 =	simm.s32 $0x1BFF;
	s19 =	sshll.u32 s4, $0x1;
	s1 =	sadd.s32 s2, s17  }
0x99: {  	s5 =	simm.s32 $0x0;
	s18 =	sshll.u32 s3, $0x1;
	s3 =	sadd.s32 s19, s1  }
0x9a: {  	[timem:s5], [sflag:s20] =	dma.local [hbm:s3], s18  }
0x9b: {  	_ =	swait.ge [sflag:s20], s18  }
0x9c: {  	s2 =	ssub.s32 $0x0, s18;
	[sflag:s20] =	ssyncset.done $0x0  }
0x9d: {  	[sflag:s20] =	ssyncadd.s32 s2;
	_ =	sdelay $0x1  }
0x9e: {  	s21 =	simm.s32 $0x1B8B  }
0x9f: {  	_ =	swait.ge [sflag:s21], $0x1  }
0xa0: {  	[sflag:s21] =	ssyncset.done $0x0  }
0xa1: {  	s23 =	simm.s32 $0x1B8E;
	s22 =	sld [smem:$0x3FFE];
	[sflag:s21] =	ssyncadd.s32 $0xFFFFFFFF  }
0xa2: {  	s24 =	simm.s32 $execute0_lowered;
	[smem:$0x3FD2] =	sst s23  }
0xa3: {  	s3 =	sshll.u32 s24, $0x1;
	_ =	strace $0x80000046;
	[dreg:$0x1] =	wrdreg $0xFFFFFFFF  }
0xa4: {  	s25 =	simm.s32 $_size_execute0_lowered;
	s1 =	sadd.s32 s1, s3;
	[dreg:$0x0] =	wrdreg $0x0  }
0xa5: {  	s3 =	sshll.u32 s25, $0x1;
	[dreg:$0x2] =	wrdreg s1  }
0xa6: {  	[dreg:$0x3] =	wrdreg s3  }
0xa7: {  	[dreg:$0x4] =	wrdreg $0xC0  }
0xa8: {  	_ =	task [dreg:s5], $0x5FFFF  }
0xa9: {  	[dreg:$0x1] =	wrdreg $0xFFFFFFFF  }
0xaa: {  	[dreg:$0x0] =	wrdreg $0x60  }
0xab: {  	[dreg:$0x2] =	wrdreg s0  }
0xac: {  	[dreg:$0x3] =	wrdreg s22  }
0xad: {  	[dreg:$0x4] =	wrdreg $0x163800  }
0xae: {  	[dreg:$0x5] =	wrdreg $0x18B800  }
0xaf: {  	[dreg:$0x6] =	wrdreg $0x9  }
0xb0: {  	_ =	task.clear_ibuf [dreg:s5], $0x7FFFF;
	_ =	strace $0x90000046  }
0xb1: {  	s26 =	simm.s32 $0x9;
	_ =	strace $0x80000048  }
0xb2: {  	_ =	swait.ge [sflag:s26], $0x1  }
0xb3: {  	[sflag:s26] =	ssyncadd.s32 $0xFFFFFFFF  }
0xb4: {  	_ =	strace $0x90000048  }
0xb5: {  	_ =	sfence  }
0xb6: {  	s28 =	sld [smem:$0x0];
	_ =	sdelay $0x1  }
0xb7: {  	s29 =	srdreg.scid  }
0xb8: {  	s30 =	sshll.u32 s29, $0xD;
	s31 =	sshrl.u32 s29, $0x2  }
0xb9: {  	s2 =	sand.u32 $0x4000, s30;
	s1 =	sand.u32 $0x1, s29;
	s0 =	sadd.s32 s31, s28  }
0xba: {  	s1 =	sor.u32 s2, s1;
	s0 =	sshll.u32 s0, $0x11  }
0xbb: {  	s0 =	sor.u32 s0, s1  }
0xbc: {  	s0 =	sadd.s32 $0x8F2B, s0  }
0xbd: {  	[sflag:s0] =	ssyncadd.remote.s32 $0x1  }
0xbe: {  	_ =	sfence.sel $0xFFFF  }
0xbf: {  	[dreg:$0x0] =	wrdreg $0xFFFFFFFF;
	(pc) =	sbr.abs _section_cstart, $3  }
0xc0: {  	[dreg:$0x1] =	wrdreg $0xFFFFFFFF  }
0xc1: {  	_ =	task.clear_ibuf [dreg:s5], $0x2FFFF;
	_ =	strace $0x9FFFFFFF  }
0xc2: {  	(tm) =	ssettm $0x7FFFFFFF  }
0xc3: {  	_ =	shalt  }
tec
execute0_lowered:
.L_overlay_start_1:
0x0: {  	(tag) =	ssettag $0x1  }
0x1: {  	s3 =	rddreg [dreg:$0x0]  }
0x2: {  	s7 =	rddreg [dreg:$0x1]  }
0x3: {  	s6 =	rddreg [dreg:$0x2]  }
0x4: {  	s4 =	rddreg [dreg:$0x3];
	s1 =	stileid.u32  }
0x5: {  	s0 =	rddreg [dreg:$0x4];
	s5 =	simm.s32 $0x0;
	s2 =	smul.u32 $0x4E20, s1  }
0x6: {  	s9 =	simm.s32 $0x16170;
	[smem:$0x7FF] =	sst s5  }
0x7: {  	s8 =	sadd.s32 $0x14200, s7;
	_ =	strace $0x80000047;
	s2 =	sshrl.u32 s2, $0x3  }
0x8: {  	[tilespmem:s9], [sflag:$0x2] =	stream.linear.gather [hbm4b:s8+s5], $0x210, $0x38;
	[tilespmem:$0x18E00] =	vst v63  }
0x9: {  	s26 =	sadd.s32 s2, s7  }
0xa: {  	[tilespmem:s5], [sflag:$0x1] =	stream.linear.gather [hbm4b:s3+s5], $0x2710, $0x38;
	[tilespmem:$0x18E00] =	vst v63  }
0xb: {  	s29 =	simm.s32 $0x2710;
	s28 =	sadd.s32 $0x800, s26  }
0xc: {  	[tilespmem:s29], [sflag:$0x1] =	stream.linear.gather [hbm4b:s28+s5], $0x4E20, $0x38;
	[tilespmem:$0x18E00] =	vst v63  }
0xd: {  	s31 =	simm.s32 $0x7530;
	s30 =	sadd.s32 $0xA440, s26  }
0xe: {  	[tilespmem:s31], [sflag:$0x1] =	stream.linear.gather [hbm4b:s30+s5], $0x4E20, $0x38;
	[tilespmem:$0x18E00] =	vst v63  }
0xf: {  	v0 =	vimm.f32 $0.0e+00;
	s5 =	simm.s32 $0xC390  }
0x10: {  	[tilespmem:s5+$0xFFFFFFC0] =	vst v0  }
0x11: {  	[tilespmem:s5+$0x30] =	vst v0  }
0x12: {  	[tilespmem:s5+$0x20] =	vst v0  }
0x13: {  	[tilespmem:s5+$0x10] =	vst v0  }
0x14: {  	[tilespmem:s5+$0x0] =	vst v0  }
0x15: {  	[tilespmem:s5+$0xFFFFFFF0] =	vst v0  }
0x16: {  	s3 =	sadd.s32 $0x14400, s7;
	s7 =	simm.s32 $0x0;
	[tilespmem:s5+$0xFFFFFFE0] =	vst v0  }
.LBB2_1:
0x17: {  	s7 =	sadd.s32 $0x80, s7;
	[tilespmem:s5+$0xFFFFFFD0] =	vst v0;
	s5 =	sadd.s32 $0x80, s5  }
0x18: {  	[tilespmem:s5+$0xFFFFFFC0] =	vst v0;
	p0 =	slt.u32 s7, $0x2780  }
0x19: {  	[tilespmem:s5+$0x30] =	vst v0  }
.Ltmp0:
0x1a: {  	[tilespmem:s5+$0x20] =	vst v0;
	(pc) =	sbr.rel @p0 .LBB2_1-.Ltmp0, $4  }
0x1b: {  	[tilespmem:s5+$0x10] =	vst v0  }
0x1c: {  	[tilespmem:s5+$0x0] =	vst v0  }
0x1d: {  	[tilespmem:s5+$0xFFFFFFF0] =	vst v0  }
0x1e: {  	[tilespmem:s5+$0xFFFFFFE0] =	vst v0  }
0x1f: {  	[tilespmem:s5+$0xFFFFFFD0] =	vst v0;
	s31 =	simm.s32 $0x1  }
0x20: {  	_ =	swait.ge [sflag:s31], $0x2710  }
0x21: {  	[sflag:s31] =	ssyncset.done $0x0  }
0x22: {  	[sflag:s31] =	ssyncadd.s32 $0xFFFFD8F0  }
0x23: {  	_ =	swait.ge [sflag:s31], $0x4E20  }
0x24: {  	[sflag:s31] =	ssyncset.done $0x0  }
0x25: {  	[sflag:s31] =	ssyncadd.s32 $0xFFFFB1E0  }
0x26: {  	_ =	swait.ge [sflag:s31], $0x4E20  }
0x27: {  	[sflag:s31] =	ssyncset.done $0x0  }
0x28: {  	s8 =	simm.s32 $0x2760;
	[sflag:s31] =	ssyncadd.s32 $0xFFFFB1E0  }
0x29: {  	v54 =	vld [tilespmem:s8+$0x40]  }
0x2a: {  	v1 =	vld [tilespmem:s8+$0xFFFFFFC0]  }
0x2b: {  	v2 =	vld [tilespmem:s8+$0xFFFFFFD0]  }
0x2c: {  	v3 =	vld [tilespmem:s8+$0xFFFFFFE0]  }
0x2d: {  	v4 =	vld [tilespmem:s8+$0xFFFFFFF0]  }
0x2e: {  	s5 =	simm.s32 $0x7580;
	v5 =	vld [tilespmem:s8+$0x0]  }
0x2f: {  	v6 =	vld [tilespmem:s5+$0x40]  }
0x30: {  	v7 =	vld [tilespmem:s8+$0x10]  }
0x31: {  	v8 =	vld [tilespmem:s8+$0x20]  }
0x32: {  	v9 =	vld [tilespmem:s8+$0x30]  }
0x33: {  	v10 =	vld [tilespmem:s8+$0xFFFFFFB0]  }
0x34: {  	v62 =	vld [tilespmem:s5+$0xFFFFFFB0]  }
0x35: {  	v63 =	vld [tilespmem:s5+$0xFFFFFFC0]  }
0x36: {  	v11 =	vld [tilespmem:s5+$0xFFFFFFD0]  }
0x37: {  	v12 =	vld [tilespmem:s5+$0xFFFFFFE0]  }
0x38: {  	v13 =	vld [tilespmem:s5+$0xFFFFFFF0]  }
0x39: {  	v14 =	vld [tilespmem:s5+$0x0]  }
0x3a: {  	v15 =	vld [tilespmem:s5+$0x10]  }
0x3b: {  	v16 =	vld [tilespmem:s5+$0x20]  }
0x3c: {  	s7 =	simm.s32 $0x0;
	v17 =	vld [tilespmem:s5+$0x30]  }
0x3d: {  	v0 =	vld.idx.msk [tilespmem:v54+s7+$0x0], $0xffff  }
0x3e: {  	v1 =	vld.idx.msk [tilespmem:v1+s7+$0x0], $0xffff  }
0x3f: {  	v2 =	vld.idx.msk [tilespmem:v2+s7+$0x0], $0xffff  }
0x40: {  	v55 =	vld.idx.msk [tilespmem:v3+s7+$0x0], $0xffff  }
0x41: {  	v56 =	vld.idx.msk [tilespmem:v4+s7+$0x0], $0xffff  }
0x42: {  	v57 =	vld.idx.msk [tilespmem:v5+s7+$0x0], $0xffff  }
0x43: {  	v59 =	vld.idx.msk [tilespmem:v10+s7+$0x0], $0xffff  }
0x44: {  	v58 =	vld.idx.msk [tilespmem:v7+s7+$0x0], $0xffff  }
0x45: {  	v60 =	vld.idx.msk [tilespmem:v8+s7+$0x0], $0xffff  }
0x46: {  	s8 =	simm.s32 $0xC350;
	v61 =	vld.idx.msk [tilespmem:v9+s7+$0x0], $0xffff  }
0x47: {  	[tilespmem:v6+s8+$0x0] =	vst.idx.add.f32.msk $0xffff, v0  }
0x48: {  	[tilespmem:v62+s8+$0x0] =	vst.idx.add.f32.msk $0xffff, v59  }
0x49: {  	[tilespmem:v63+s8+$0x0] =	vst.idx.add.f32.msk $0xffff, v1  }
0x4a: {  	[tilespmem:v11+s8+$0x0] =	vst.idx.add.f32.msk $0xffff, v2  }
0x4b: {  	[tilespmem:v12+s8+$0x0] =	vst.idx.add.f32.msk $0xffff, v55  }
0x4c: {  	[tilespmem:v13+s8+$0x0] =	vst.idx.add.f32.msk $0xffff, v56  }
0x4d: {  	[tilespmem:v14+s8+$0x0] =	vst.idx.add.f32.msk $0xffff, v57  }
0x4e: {  	[tilespmem:v15+s8+$0x0] =	vst.idx.add.f32.msk $0xffff, v58  }
0x4f: {  	[tilespmem:v16+s8+$0x0] =	vst.idx.add.f32.msk $0xffff, v60  }
0x50: {  	s9 =	simm.s32 $0x0;
	s10 =	simm.s32 $0x2800;
	[tilespmem:v17+s8+$0x0] =	vst.idx.add.f32.msk $0xffff, v61  }
.LBB2_3:
0x51: {  	v0 =	vld [tilespmem:s10+$0x40];
	s9 =	sadd.s32 $0xA0, s9  }
0x52: {  	v1 =	vld [tilespmem:s10+$0xFFFFFFC0];
	p0 =	slt.u32 s9, $0x4D80  }
0x53: {  	v2 =	vld [tilespmem:s10+$0xFFFFFFD0]  }
0x54: {  	v3 =	vld [tilespmem:s10+$0xFFFFFFE0]  }
0x55: {  	v4 =	vld [tilespmem:s10+$0xFFFFFFF0]  }
0x56: {  	s5 =	sadd.s32 $0xA0, s5;
	v5 =	vld [tilespmem:s10+$0x0]  }
0x57: {  	v6 =	vld [tilespmem:s5+$0x40]  }
0x58: {  	v7 =	vld [tilespmem:s10+$0x10]  }
0x59: {  	v0 =	vld.idx.msk [tilespmem:v0+s7+$0x0], $0xffff  }
0x5a: {  	v8 =	vld [tilespmem:s10+$0x20]  }
0x5b: {  	v9 =	vld [tilespmem:s10+$0x30]  }
0x5c: {  	v10 =	vld [tilespmem:s10+$0xFFFFFFB0]  }
0x5d: {  	v1 =	vld.idx.msk [tilespmem:v1+s7+$0x0], $0xffff  }
0x5e: {  	v2 =	vld.idx.msk [tilespmem:v2+s7+$0x0], $0xffff  }
0x5f: {  	[tilespmem:v6+s8+$0x0] =	vst.idx.add.f32.msk $0xffff, v0  }
0x60: {  	v0 =	vld.idx.msk [tilespmem:v3+s7+$0x0], $0xffff  }
0x61: {  	v3 =	vld.idx.msk [tilespmem:v4+s7+$0x0], $0xffff  }
0x62: {  	v4 =	vld.idx.msk [tilespmem:v5+s7+$0x0], $0xffff  }
0x63: {  	v5 =	vld.idx.msk [tilespmem:v7+s7+$0x0], $0xffff  }
0x64: {  	v6 =	vld.idx.msk [tilespmem:v10+s7+$0x0], $0xffff  }
0x65: {  	v7 =	vld.idx.msk [tilespmem:v8+s7+$0x0], $0xffff  }
0x66: {  	v8 =	vld.idx.msk [tilespmem:v9+s7+$0x0], $0xffff  }
0x67: {  	v9 =	vld [tilespmem:s5+$0xFFFFFFB0]  }
0x68: {  	v10 =	vld [tilespmem:s5+$0xFFFFFFC0]  }
0x69: {  	v11 =	vld [tilespmem:s5+$0xFFFFFFD0]  }
0x6a: {  	v12 =	vld [tilespmem:s5+$0xFFFFFFE0]  }
0x6b: {  	v13 =	vld [tilespmem:s5+$0xFFFFFFF0]  }
0x6c: {  	v14 =	vld [tilespmem:s5+$0x0]  }
0x6d: {  	v15 =	vld [tilespmem:s5+$0x10]  }
0x6e: {  	v16 =	vld [tilespmem:s5+$0x20]  }
0x6f: {  	v17 =	vld [tilespmem:s5+$0x30]  }
0x70: {  	[tilespmem:v9+s8+$0x0] =	vst.idx.add.f32.msk $0xffff, v6  }
0x71: {  	[tilespmem:v10+s8+$0x0] =	vst.idx.add.f32.msk $0xffff, v1  }
0x72: {  	[tilespmem:v11+s8+$0x0] =	vst.idx.add.f32.msk $0xffff, v2  }
0x73: {  	[tilespmem:v12+s8+$0x0] =	vst.idx.add.f32.msk $0xffff, v0  }
.Ltmp1:
0x74: {  	[tilespmem:v13+s8+$0x0] =	vst.idx.add.f32.msk $0xffff, v3;
	(pc) =	sbr.rel @p0 .LBB2_3-.Ltmp1, $4  }
0x75: {  	[tilespmem:v14+s8+$0x0] =	vst.idx.add.f32.msk $0xffff, v4  }
0x76: {  	[tilespmem:v15+s8+$0x0] =	vst.idx.add.f32.msk $0xffff, v5  }
0x77: {  	[tilespmem:v16+s8+$0x0] =	vst.idx.add.f32.msk $0xffff, v7  }
0x78: {  	s10 =	sadd.s32 $0xA0, s10;
	[tilespmem:v17+s8+$0x0] =	vst.idx.add.f32.msk $0xffff, v8  }
0x79: {  	s5 =	smul.u32 $0xA000, s1;
	_ =	sdelay $0x1  }
0x7a: {  	s5 =	sshrl.u32 s5, $0x2  }
0x7b: {  	s7 =	simm.s32 $0xC350;
	s24 =	simm.s32 $0x3;
	s5 =	sadd.s32 s5, s6  }
0x7c: {  	[spmem:s5] =	stream.linear.scatter [tilespmem:s7], [sflag:$0x3], $0x2800, $0x38;
	[tilespmem:$0x18E00] =	vst v63  }
0x7d: {  	_ =	swait.ge [sflag:s24], $0x2800  }
0x7e: {  	s5 =	smul.u32 $0x280, s1;
	[sflag:s24] =	ssyncset.done $0x0  }
0x7f: {  	[sflag:s24] =	ssyncadd.s32 $0xFFFFD800  }
0x80: {  	s25 =	simm.s32 $0xEB50;
	s6 =	sadd.s32 s5, s6;
	[bflag:$0x0] =	sbarrier.arrive $0xFFFF  }
0x81: {  	[tilespmem:s25], [sflag:$0x1] =	stream.linear.gather [spmem:s6], $0x280, $0x38;
	[tilespmem:$0x18E00] =	vst v63  }
0x82: {  	s8 =	simm.s32 $0xEDD0;
	s26 =	sadd.s32 $0x2800, s6  }
0x83: {  	[tilespmem:s8], [sflag:$0x1] =	stream.linear.gather [spmem:s26], $0x280, $0x38;
	[tilespmem:$0x18E00] =	vst v63  }
0x84: {  	s29 =	simm.s32 $0xF050;
	s28 =	sadd.s32 $0x5000, s6  }
0x85: {  	[tilespmem:s29], [sflag:$0x1] =	stream.linear.gather [spmem:s28], $0x280, $0x38;
	[tilespmem:$0x18E00] =	vst v63  }
0x86: {  	s31 =	simm.s32 $0xF2D0;
	s30 =	sadd.s32 $0x7800, s6  }
0x87: {  	[tilespmem:s31], [sflag:$0x1] =	stream.linear.gather [spmem:s30], $0x280, $0x38;
	[tilespmem:$0x18E00] =	vst v63  }
0x88: {  	s9 =	simm.s32 $0xF550;
	s8 =	sadd.s32 $0xA000, s6  }
0x89: {  	[tilespmem:s9], [sflag:$0x1] =	stream.linear.gather [spmem:s8], $0x280, $0x38;
	[tilespmem:$0x18E00] =	vst v63  }
0x8a: {  	s11 =	simm.s32 $0xF7D0;
	s10 =	sadd.s32 $0xC800, s6  }
0x8b: {  	[tilespmem:s11], [sflag:$0x1] =	stream.linear.gather [spmem:s10], $0x280, $0x38;
	[tilespmem:$0x18E00] =	vst v63  }
0x8c: {  	s13 =	simm.s32 $0xFA50;
	s12 =	sadd.s32 $0xF000, s6  }
0x8d: {  	[tilespmem:s13], [sflag:$0x1] =	stream.linear.gather [spmem:s12], $0x280, $0x38;
	[tilespmem:$0x18E00] =	vst v63  }
0x8e: {  	s15 =	simm.s32 $0xFCD0;
	s14 =	sadd.s32 $0x11800, s6  }
0x8f: {  	[tilespmem:s15], [sflag:$0x1] =	stream.linear.gather [spmem:s14], $0x280, $0x38;
	[tilespmem:$0x18E00] =	vst v63  }
0x90: {  	s17 =	simm.s32 $0xFF50;
	s16 =	sadd.s32 $0x14000, s6  }
0x91: {  	[tilespmem:s17], [sflag:$0x1] =	stream.linear.gather [spmem:s16], $0x280, $0x38;
	[tilespmem:$0x18E00] =	vst v63  }
0x92: {  	s18 =	sadd.s32 $0x16800, s6;
	s9 =	simm.s32 $0x101D0  }
0x93: {  	[tilespmem:s9], [sflag:$0x1] =	stream.linear.gather [spmem:s18], $0x280, $0x38;
	[tilespmem:$0x18E00] =	vst v63  }
0x94: {  	s20 =	simm.s32 $0x10450;
	s19 =	sadd.s32 $0x19000, s6  }
0x95: {  	[tilespmem:s20], [sflag:$0x1] =	stream.linear.gather [spmem:s19], $0x280, $0x38;
	[tilespmem:$0x18E00] =	vst v63  }
0x96: {  	s22 =	simm.s32 $0x106D0;
	s21 =	sadd.s32 $0x1B800, s6  }
0x97: {  	[tilespmem:s22], [sflag:$0x1] =	stream.linear.gather [spmem:s21], $0x280, $0x38;
	[tilespmem:$0x18E00] =	vst v63  }
0x98: {  	s23 =	sadd.s32 $0x1E000, s6;
	s24 =	simm.s32 $0x10950  }
0x99: {  	[tilespmem:s24], [sflag:$0x1] =	stream.linear.gather [spmem:s23], $0x280, $0x38;
	[tilespmem:$0x18E00] =	vst v63  }
0x9a: {  	s25 =	sadd.s32 $0x20800, s6;
	s26 =	simm.s32 $0x10BD0  }
0x9b: {  	[tilespmem:s26], [sflag:$0x1] =	stream.linear.gather [spmem:s25], $0x280, $0x38;
	[tilespmem:$0x18E00] =	vst v63  }
0x9c: {  	s28 =	sadd.s32 $0x23000, s6;
	s29 =	simm.s32 $0x10E50  }
0x9d: {  	[tilespmem:s29], [sflag:$0x1] =	stream.linear.gather [spmem:s28], $0x280, $0x38;
	[tilespmem:$0x18E00] =	vst v63  }
0x9e: {  	s6 =	sadd.s32 $0x25800, s6;
	s30 =	simm.s32 $0x110D0;
	s31 =	simm.s32 $0x1  }
0x9f: {  	[tilespmem:s30], [sflag:$0x1] =	stream.linear.gather [spmem:s6], $0x280, $0x38;
	[tilespmem:$0x18E00] =	vst v63  }
0xa0: {  	_ =	swait.ge [sflag:s31], $0x280  }
0xa1: {  	[sflag:s31] =	ssyncset.done $0x0  }
0xa2: {  	[sflag:s31] =	ssyncadd.s32 $0xFFFFFD80  }
0xa3: {  	_ =	swait.ge [sflag:s31], $0x280  }
0xa4: {  	[sflag:s31] =	ssyncset.done $0x0  }
0xa5: {  	[sflag:s31] =	ssyncadd.s32 $0xFFFFFD80  }
0xa6: {  	_ =	swait.ge [sflag:s31], $0x280  }
0xa7: {  	[sflag:s31] =	ssyncset.done $0x0  }
0xa8: {  	[sflag:s31] =	ssyncadd.s32 $0xFFFFFD80  }
0xa9: {  	_ =	swait.ge [sflag:s31], $0x280  }
0xaa: {  	[sflag:s31] =	ssyncset.done $0x0  }
0xab: {  	[sflag:s31] =	ssyncadd.s32 $0xFFFFFD80  }
0xac: {  	_ =	swait.ge [sflag:s31], $0x280  }
0xad: {  	[sflag:s31] =	ssyncset.done $0x0  }
0xae: {  	[sflag:s31] =	ssyncadd.s32 $0xFFFFFD80  }
0xaf: {  	_ =	swait.ge [sflag:s31], $0x280  }
0xb0: {  	[sflag:s31] =	ssyncset.done $0x0  }
0xb1: {  	[sflag:s31] =	ssyncadd.s32 $0xFFFFFD80  }
0xb2: {  	_ =	swait.ge [sflag:s31], $0x280  }
0xb3: {  	[sflag:s31] =	ssyncset.done $0x0  }
0xb4: {  	[sflag:s31] =	ssyncadd.s32 $0xFFFFFD80  }
0xb5: {  	_ =	swait.ge [sflag:s31], $0x280  }
0xb6: {  	[sflag:s31] =	ssyncset.done $0x0  }
0xb7: {  	[sflag:s31] =	ssyncadd.s32 $0xFFFFFD80  }
0xb8: {  	_ =	swait.ge [sflag:s31], $0x280  }
0xb9: {  	[sflag:s31] =	ssyncset.done $0x0  }
0xba: {  	[sflag:s31] =	ssyncadd.s32 $0xFFFFFD80  }
0xbb: {  	_ =	swait.ge [sflag:s31], $0x280  }
0xbc: {  	[sflag:s31] =	ssyncset.done $0x0  }
0xbd: {  	[sflag:s31] =	ssyncadd.s32 $0xFFFFFD80  }
0xbe: {  	_ =	swait.ge [sflag:s31], $0x280  }
0xbf: {  	[sflag:s31] =	ssyncset.done $0x0  }
0xc0: {  	[sflag:s31] =	ssyncadd.s32 $0xFFFFFD80  }
0xc1: {  	_ =	swait.ge [sflag:s31], $0x280  }
0xc2: {  	[sflag:s31] =	ssyncset.done $0x0  }
0xc3: {  	[sflag:s31] =	ssyncadd.s32 $0xFFFFFD80  }
0xc4: {  	_ =	swait.ge [sflag:s31], $0x280  }
0xc5: {  	[sflag:s31] =	ssyncset.done $0x0  }
0xc6: {  	[sflag:s31] =	ssyncadd.s32 $0xFFFFFD80  }
0xc7: {  	_ =	swait.ge [sflag:s31], $0x280  }
0xc8: {  	[sflag:s31] =	ssyncset.done $0x0  }
0xc9: {  	[sflag:s31] =	ssyncadd.s32 $0xFFFFFD80  }
0xca: {  	_ =	swait.ge [sflag:s31], $0x280  }
0xcb: {  	[sflag:s31] =	ssyncset.done $0x0  }
0xcc: {  	[sflag:s31] =	ssyncadd.s32 $0xFFFFFD80  }
0xcd: {  	_ =	swait.ge [sflag:s31], $0x280  }
0xce: {  	[sflag:s31] =	ssyncset.done $0x0  }
0xcf: {  	[sflag:s31] =	ssyncadd.s32 $0xFFFFFD80  }
0xd0: {  	v0 =	vld [tilespmem:s17+$0xFFFFEC30]  }
0xd1: {  	v1 =	vld [tilespmem:s17+$0xFFFFEEB0]  }
0xd2: {  	v2 =	vld [tilespmem:s17+$0xFFFFEE80]  }
0xd3: {  	v3 =	vld [tilespmem:s17+$0xFFFFF130]  }
0xd4: {  	v4 =	vld [tilespmem:s17+$0xFFFFEC10]  }
0xd5: {  	v5 =	vld [tilespmem:s17+$0xFFFFF3B0]  }
0xd6: {  	v6 =	vld [tilespmem:s17+$0xFFFFEE90]  }
0xd7: {  	v7 =	vld [tilespmem:s17+$0xFFFFF630]  }
0xd8: {  	v8 =	vld [tilespmem:s17+$0xFFFFEC20]  }
0xd9: {  	v9 =	vld [tilespmem:s17+$0xFFFFF8B0]  }
0xda: {  	v10 =	vld [tilespmem:s17+$0xFFFFEEA0]  }
0xdb: {  	v11 =	vld [tilespmem:s17+$0xFFFFFB30]  }
0xdc: {  	v12 =	vld [tilespmem:s17+$0xFFFFEC00]  }
0xdd: {  	v13 =	vld [tilespmem:s17+$0xFFFFFDB0]  }
0xde: {  	v14 =	vld [tilespmem:s17+$0xFFFFF100]  }
0xdf: {  	v15 =	vld [tilespmem:s17+$0x30]  }
0xe0: {  	v16 =	vld [tilespmem:s17+$0xFFFFF110]  }
0xe1: {  	v17 =	vld [tilespmem:s17+$0x2B0]  }
0xe2: {  	v18 =	vld [tilespmem:s17+$0xFFFFF120]  }
0xe3: {  	v19 =	vld [tilespmem:s17+$0x530]  }
0xe4: {  	v20 =	vld [tilespmem:s17+$0xFFFFF380]  }
0xe5: {  	v21 =	vld [tilespmem:s17+$0x7B0]  }
0xe6: {  	v22 =	vld [tilespmem:s17+$0xFFFFF390]  }
0xe7: {  	v23 =	vld [tilespmem:s17+$0xA30]  }
0xe8: {  	v24 =	vld [tilespmem:s17+$0xFFFFF3A0]  }
0xe9: {  	v25 =	vld [tilespmem:s17+$0xCB0]  }
0xea: {  	v26 =	vld [tilespmem:s17+$0xFFFFF600]  }
0xeb: {  	v27 =	vld [tilespmem:s17+$0xF30]  }
0xec: {  	v28 =	vld [tilespmem:s17+$0xFFFFF610]  }
0xed: {  	v29 =	vld [tilespmem:s17+$0x11B0]  }
0xee: {  	v30 =	vld [tilespmem:s17+$0xFFFFF620]  }
0xef: {  	v31 =	vld [tilespmem:s17+$0xFFFFF880]  }
0xf0: {  	v32 =	vld [tilespmem:s17+$0xFFFFF8A0]  }
0xf1: {  	v33 =	vld [tilespmem:s17+$0xFFFFFB10];
	v0 =	vadd.f32 v1, v0  }
0xf2: {  	v50 =	vld [tilespmem:s17+$0xFFFFFD80]  }
0xf3: {  	v51 =	vld [tilespmem:s17+$0x0];
	v0 =	vadd.f32 v3, v0  }
0xf4: {  	v52 =	vld [tilespmem:s17+$0x10];
	v2 =	vadd.f32 v2, v12;
	v4 =	vadd.f32 v6, v4  }
0xf5: {  	v53 =	vld [tilespmem:s17+$0x20];
	v0 =	vadd.f32 v5, v0  }
0xf6: {  	v54 =	vld [tilespmem:s17+$0x280];
	v2 =	vadd.f32 v14, v2;
	v4 =	vadd.f32 v16, v4  }
0xf7: {  	v1 =	vld [tilespmem:s17+$0xFFFFF890];
	v0 =	vadd.f32 v7, v0;
	v7 =	vadd.f32 v10, v8  }
0xf8: {  	v55 =	vld [tilespmem:s17+$0x290];
	v2 =	vadd.f32 v20, v2;
	v4 =	vadd.f32 v22, v4  }
0xf9: {  	v3 =	vld [tilespmem:s17+$0xFFFFFB00];
	v0 =	vadd.f32 v9, v0;
	v7 =	vadd.f32 v18, v7  }
0xfa: {  	v56 =	vld [tilespmem:s17+$0x2A0];
	v2 =	vadd.f32 v26, v2;
	v4 =	vadd.f32 v28, v4  }
0xfb: {  	v6 =	vld [tilespmem:s17+$0xFFFFFD90];
	v0 =	vadd.f32 v11, v0;
	v7 =	vadd.f32 v24, v7  }
0xfc: {  	v5 =	vld [tilespmem:s17+$0xFFFFFB20];
	v2 =	vadd.f32 v31, v2;
	v1 =	vadd.f32 v1, v4  }
0xfd: {  	v57 =	vld [tilespmem:s17+$0x520];
	v0 =	vadd.f32 v13, v0;
	v7 =	vadd.f32 v30, v7  }
0xfe: {  	v8 =	vld [tilespmem:s17+$0xFFFFFDA0];
	v2 =	vadd.f32 v3, v2;
	v1 =	vadd.f32 v33, v1  }
0xff: {  	v58 =	vld [tilespmem:s17+$0xA00];
	v0 =	vadd.f32 v15, v0;
	v7 =	vadd.f32 v32, v7  }
0x100: {  	v4 =	vld [tilespmem:s17+$0x500];
	v2 =	vadd.f32 v50, v2;
	v1 =	vadd.f32 v6, v1  }
0x101: {  	v3 =	vld [tilespmem:s17+$0x510];
	v0 =	vadd.f32 v17, v0;
	v5 =	vadd.f32 v5, v7  }
0x102: {  	v6 =	vld [tilespmem:s17+$0x790];
	v2 =	vadd.f32 v51, v2;
	v1 =	vadd.f32 v52, v1  }
0x103: {  	v7 =	vld [tilespmem:s17+$0x780];
	v0 =	vadd.f32 v19, v0;
	v5 =	vadd.f32 v8, v5  }
0x104: {  	v59 =	vld [tilespmem:s17+$0xA10];
	v2 =	vadd.f32 v54, v2;
	v1 =	vadd.f32 v55, v1  }
0x105: {  	v60 =	vld [tilespmem:s17+$0xA20];
	v0 =	vadd.f32 v21, v0;
	v5 =	vadd.f32 v53, v5  }
0x106: {  	v8 =	vld [tilespmem:s17+$0x7A0];
	v2 =	vadd.f32 v4, v2;
	v1 =	vadd.f32 v3, v1  }
0x107: {  	v4 =	vld [tilespmem:s17+$0xC80];
	v0 =	vadd.f32 v23, v0;
	v5 =	vadd.f32 v56, v5  }
0x108: {  	v3 =	vld [tilespmem:s17+$0xC90];
	v1 =	vadd.f32 v6, v1;
	v2 =	vadd.f32 v7, v2  }
0x109: {  	v6 =	vld [tilespmem:s17+$0xF00];
	v0 =	vadd.f32 v25, v0;
	v5 =	vadd.f32 v57, v5  }
0x10a: {  	v7 =	vld [tilespmem:s17+$0xCA0];
	v2 =	vadd.f32 v58, v2  }
0x10b: {  	v61 =	vadd.f32 v27, v0;
	v5 =	vadd.f32 v8, v5;
	v0 =	vld [tilespmem:s17+$0xF10]  }
0x10c: {  	v62 =	vadd.f32 v59, v1;
	v1 =	vld [tilespmem:s17+$0xF20];
	v4 =	vadd.f32 v4, v2  }
0x10d: {  	v2 =	vld [tilespmem:s17+$0x1180];
	v8 =	vadd.f32 v29, v61;
	v63 =	vadd.f32 v60, v5  }
0x10e: {  	s6 =	simm.s32 $0xC370;
	v5 =	vadd.f32 v3, v62;
	v3 =	vld [tilespmem:s17+$0x1190]  }
0x10f: {  	s7 =	simm.s32 $0x0;
	s8 =	simm.s32 $0xFF90;
	v6 =	vadd.f32 v6, v4;
	v4 =	vld [tilespmem:s17+$0x11A0];
	[tilespmem:s6+$0x10] =	vst v8;
	v7 =	vadd.f32 v7, v63  }
.LBB2_5:
0x110: {  	v8 =	vld [tilespmem:s8+$0xFFFFEC30];
	v0 =	vadd.f32 v0, v5  }
0x111: {  	s7 =	sadd.s32 $0x40, s7;
	v5 =	vld [tilespmem:s8+$0xFFFFEEB0];
	v1 =	vadd.f32 v1, v7  }
0x112: {  	p0 =	slt.u32 s7, $0x240;
	v7 =	vld [tilespmem:s8+$0xFFFFEE80];
	v2 =	vadd.f32 v2, v6  }
0x113: {  	v6 =	vld [tilespmem:s8+$0xFFFFF130];
	v0 =	vadd.f32 v3, v0  }
0x114: {  	v3 =	vld [tilespmem:s8+$0xFFFFEC10];
	[tilespmem:s6+$0xFFFFFFE0] =	vst v2;
	v1 =	vadd.f32 v4, v1  }
0x115: {  	v2 =	vld [tilespmem:s8+$0xFFFFF3B0];
	[tilespmem:s6+$0xFFFFFFF0] =	vst v0  }
0x116: {  	v0 =	vld [tilespmem:s8+$0xFFFFEE90];
	v4 =	vadd.f32 v5, v8;
	[tilespmem:s6+$0x0] =	vst v1  }
0x117: {  	v1 =	vld [tilespmem:s8+$0xFFFFF630]  }
0x118: {  	v5 =	vld [tilespmem:s8+$0xFFFFEC20];
	v4 =	vadd.f32 v6, v4  }
0x119: {  	v6 =	vld [tilespmem:s8+$0xFFFFF8B0]  }
0x11a: {  	v8 =	vld [tilespmem:s8+$0xFFFFEEA0];
	v2 =	vadd.f32 v2, v4  }
0x11b: {  	v0 =	vadd.f32 v0, v3;
	v3 =	vld [tilespmem:s8+$0xFFFFFB30]  }
0x11c: {  	v4 =	vld [tilespmem:s8+$0xFFFFEC00];
	v1 =	vadd.f32 v1, v2  }
0x11d: {  	v2 =	vld [tilespmem:s8+$0xFFFFFDB0]  }
0x11e: {  	v9 =	vld [tilespmem:s8+$0xFFFFF100];
	v1 =	vadd.f32 v6, v1  }
0x11f: {  	v5 =	vadd.f32 v8, v5;
	v6 =	vld [tilespmem:s8+$0x30]  }
0x120: {  	v8 =	vld [tilespmem:s8+$0xFFFFF110];
	v1 =	vadd.f32 v3, v1  }
0x121: {  	v3 =	vadd.f32 v7, v4;
	v4 =	vld [tilespmem:s8+$0x2B0]  }
0x122: {  	v7 =	vld [tilespmem:s8+$0xFFFFF120];
	v1 =	vadd.f32 v2, v1  }
0x123: {  	v2 =	vadd.f32 v9, v3;
	v3 =	vld [tilespmem:s8+$0x530]  }
0x124: {  	v9 =	vld [tilespmem:s8+$0xFFFFF380];
	v1 =	vadd.f32 v6, v1  }
0x125: {  	v0 =	vadd.f32 v8, v0;
	v6 =	vld [tilespmem:s8+$0x7B0]  }
0x126: {  	v8 =	vld [tilespmem:s8+$0xFFFFF390];
	v1 =	vadd.f32 v4, v1  }
0x127: {  	v4 =	vadd.f32 v7, v5;
	v5 =	vld [tilespmem:s8+$0xA30]  }
0x128: {  	v7 =	vld [tilespmem:s8+$0xFFFFF3A0];
	v1 =	vadd.f32 v3, v1  }
0x129: {  	v2 =	vadd.f32 v9, v2;
	v3 =	vld [tilespmem:s8+$0xCB0]  }
0x12a: {  	v9 =	vld [tilespmem:s8+$0xFFFFF600];
	v1 =	vadd.f32 v6, v1  }
0x12b: {  	v0 =	vadd.f32 v8, v0;
	v6 =	vld [tilespmem:s8+$0xF30]  }
0x12c: {  	v8 =	vld [tilespmem:s8+$0xFFFFF610];
	v1 =	vadd.f32 v5, v1  }
0x12d: {  	v4 =	vadd.f32 v7, v4;
	v5 =	vld [tilespmem:s8+$0x11B0]  }
0x12e: {  	v7 =	vld [tilespmem:s8+$0xFFFFF620];
	v1 =	vadd.f32 v3, v1  }
0x12f: {  	v2 =	vadd.f32 v9, v2;
	v3 =	vld [tilespmem:s8+$0xFFFFF880]  }
0x130: {  	v9 =	vld [tilespmem:s8+$0xFFFFF890];
	v1 =	vadd.f32 v6, v1  }
0x131: {  	v0 =	vadd.f32 v8, v0;
	v6 =	vld [tilespmem:s8+$0xFFFFF8A0]  }
0x132: {  	v8 =	vld [tilespmem:s8+$0xFFFFFB00];
	v1 =	vadd.f32 v5, v1  }
0x133: {  	s6 =	sadd.s32 $0x40, s6;
	v5 =	vld [tilespmem:s8+$0xFFFFFB10];
	v4 =	vadd.f32 v7, v4  }
0x134: {  	v2 =	vadd.f32 v3, v2;
	v3 =	vld [tilespmem:s8+$0xFFFFFB20];
	[tilespmem:s6+$0x10] =	vst v1  }
0x135: {  	v1 =	vld [tilespmem:s8+$0xFFFFFD80];
	v0 =	vadd.f32 v9, v0  }
0x136: {  	v7 =	vld [tilespmem:s8+$0xFFFFFD90];
	v4 =	vadd.f32 v6, v4  }
0x137: {  	v2 =	vadd.f32 v8, v2;
	v6 =	vld [tilespmem:s8+$0xFFFFFDA0]  }
0x138: {  	v8 =	vld [tilespmem:s8+$0x0];
	v0 =	vadd.f32 v5, v0  }
0x139: {  	v5 =	vld [tilespmem:s8+$0x10];
	v3 =	vadd.f32 v3, v4  }
0x13a: {  	v1 =	vadd.f32 v1, v2;
	v2 =	vld [tilespmem:s8+$0x20]  }
0x13b: {  	v4 =	vld [tilespmem:s8+$0x280];
	v0 =	vadd.f32 v7, v0  }
0x13c: {  	v7 =	vld [tilespmem:s8+$0x290];
	v3 =	vadd.f32 v6, v3  }
0x13d: {  	v1 =	vadd.f32 v8, v1;
	v6 =	vld [tilespmem:s8+$0x2A0]  }
0x13e: {  	v8 =	vld [tilespmem:s8+$0x500];
	v0 =	vadd.f32 v5, v0  }
0x13f: {  	v5 =	vld [tilespmem:s8+$0x510];
	v2 =	vadd.f32 v2, v3  }
0x140: {  	v1 =	vadd.f32 v4, v1;
	v3 =	vld [tilespmem:s8+$0x520]  }
0x141: {  	v4 =	vld [tilespmem:s8+$0x780];
	v0 =	vadd.f32 v7, v0  }
0x142: {  	v7 =	vld [tilespmem:s8+$0x790];
	v2 =	vadd.f32 v6, v2  }
0x143: {  	v1 =	vadd.f32 v8, v1;
	v6 =	vld [tilespmem:s8+$0x7A0]  }
0x144: {  	v8 =	vld [tilespmem:s8+$0xA00];
	v0 =	vadd.f32 v5, v0  }
0x145: {  	v5 =	vld [tilespmem:s8+$0xA10];
	v2 =	vadd.f32 v3, v2  }
0x146: {  	v1 =	vadd.f32 v4, v1;
	v3 =	vld [tilespmem:s8+$0xA20]  }
0x147: {  	v4 =	vld [tilespmem:s8+$0xC80];
	v0 =	vadd.f32 v7, v0  }
0x148: {  	v7 =	vld [tilespmem:s8+$0xC90];
	v2 =	vadd.f32 v6, v2  }
0x149: {  	v1 =	vadd.f32 v8, v1;
	v6 =	vld [tilespmem:s8+$0xCA0]  }
0x14a: {  	v8 =	vld [tilespmem:s8+$0xF00];
	v5 =	vadd.f32 v5, v0  }
.Ltmp2:
0x14b: {  	v0 =	vld [tilespmem:s8+$0xF10];
	v9 =	vadd.f32 v3, v2;
	(pc) =	sbr.rel @p0 .LBB2_5-.Ltmp2, $4  }
0x14c: {  	v4 =	vadd.f32 v4, v1;
	v1 =	vld [tilespmem:s8+$0xF20]  }
0x14d: {  	v2 =	vld [tilespmem:s8+$0x1180];
	v5 =	vadd.f32 v7, v5  }
0x14e: {  	v3 =	vld [tilespmem:s8+$0x1190];
	v7 =	vadd.f32 v6, v9  }
0x14f: {  	v6 =	vadd.f32 v8, v4;
	v4 =	vld [tilespmem:s8+$0x11A0];
	s8 =	sadd.s32 $0x40, s8  }
0x150: {  	_ = 	snop  }
0x151: {  	v0 =	vadd.f32 v0, v5  }
0x152: {  	v1 =	vadd.f32 v1, v7;
	v2 =	vadd.f32 v2, v6  }
0x153: {  	v0 =	vadd.f32 v3, v0  }
0x154: {  	[tilespmem:s6+$0xFFFFFFE0] =	vst v2;
	v1 =	vadd.f32 v4, v1  }
0x155: {  	[tilespmem:s6+$0xFFFFFFF0] =	vst v0  }
0x156: {  	s26 =	sadd.s32 s5, s4;
	s5 =	simm.s32 $0xC350;
	s28 =	simm.s32 $0x3;
	[tilespmem:s6+$0x0] =	vst v1  }
0x157: {  	[spmem:s26] =	stream.linear.scatter [tilespmem:s5], [sflag:$0x3], $0x280, $0x38;
	[tilespmem:$0x18E00] =	vst v63  }
0x158: {  	_ =	swait.ge [sflag:s28], $0x280  }
0x159: {  	[sflag:s28] =	ssyncset.done $0x0  }
0x15a: {  	[sflag:s28] =	ssyncadd.s32 $0xFFFFFD80  }
0x15b: {  	s29 =	simm.s32 $0x2;
	[bflag:$0x0] =	sbarrier.arrive $0xFFFF  }
0x15c: {  	[tilespmem:s5], [sflag:$0x1] =	stream.linear.gather [spmem:s4], $0x2800, $0x38;
	[tilespmem:$0x18E00] =	vst v63  }
0x15d: {  	_ =	swait.ge [sflag:s29], $0x210  }
0x15e: {  	[sflag:s29] =	ssyncset.done $0x0  }
0x15f: {  	[sflag:s29] =	ssyncadd.s32 $0xFFFFFDF0  }
0x160: {  	v0 =	vld [tilespmem:$0x16170]  }
0x161: {  	v1 =	vld [tilespmem:$0x161F0]  }
0x162: {  	v2 =	vld [tilespmem:$0x16270]  }
0x163: {  	v3 =	vld [tilespmem:$0x162F0]  }
0x164: {  	v4 =	vld [tilespmem:$0x16180]  }
0x165: {  	v5 =	vld [tilespmem:$0x16200]  }
0x166: {  	v6 =	vld [tilespmem:$0x16280]  }
0x167: {  	v7 =	vld [tilespmem:$0x16300]  }
0x168: {  	v8 =	vld [tilespmem:$0x16190]  }
0x169: {  	v9 =	vld [tilespmem:$0x16210]  }
0x16a: {  	v10 =	vld [tilespmem:$0x16290]  }
0x16b: {  	v11 =	vld [tilespmem:$0x16310]  }
0x16c: {  	v12 =	vld [tilespmem:$0x161A0]  }
0x16d: {  	v13 =	vld [tilespmem:$0x16220]  }
0x16e: {  	v14 =	vld [tilespmem:$0x162A0]  }
0x16f: {  	v15 =	vld [tilespmem:$0x16320]  }
0x170: {  	v16 =	vld [tilespmem:$0x161B0]  }
0x171: {  	v17 =	vld [tilespmem:$0x16230]  }
0x172: {  	v18 =	vld [tilespmem:$0x162B0]  }
0x173: {  	v19 =	vld [tilespmem:$0x16330];
	v20 =	vadd.f32 v2, v1;
	v1 =	vmul.f32 v1, v0  }
0x174: {  	v21 =	vld [tilespmem:$0x161C0];
	v0 =	vmul.f32 v2, v0;
	v47 =	vadd.f32 v6, v5  }
0x175: {  	v22 =	vld [tilespmem:$0x162C0];
	v5 =	vmul.f32 v5, v4;
	v3 =	vmul.f32 v20, v3;
	v1 =	vadd.f32 $0.0e+00, v1  }
0x176: {  	v23 =	vld [tilespmem:$0x16340];
	v4 =	vmul.f32 v6, v4;
	v0 =	vadd.f32 $0.0e+00, v0  }
0x177: {  	v48 =	vld [tilespmem:$0x16250];
	v6 =	vmul.f32 v47, v7;
	v3 =	vadd.f32 $0.0e+00, v3;
	v1 =	vadd.f32 v5, v1  }
0x178: {  	v2 =	vld [tilespmem:$0x16240];
	v5 =	vmul.f32 v9, v8;
	v9 =	vadd.f32 v10, v9;
	v0 =	vadd.f32 v4, v0  }
0x179: {  	v7 =	vld [tilespmem:$0x161D0];
	v4 =	vmul.f32 v10, v8;
	v8 =	vadd.f32 v14, v13;
	v10 =	vmul.f32 v14, v12  }
0x17a: {  	v14 =	vld [tilespmem:$0x16370];
	v3 =	vadd.f32 v6, v3;
	v1 =	vadd.f32 v5, v1;
	v5 =	vmul.f32 v9, v11  }
0x17b: {  	v6 =	vld [tilespmem:$0x162D0];
	v0 =	vadd.f32 v4, v0;
	v4 =	vmul.f32 v13, v12  }
0x17c: {  	v9 =	vld [tilespmem:$0x16350];
	v3 =	vadd.f32 v5, v3;
	v5 =	vmul.f32 v8, v15  }
0x17d: {  	v11 =	vld [tilespmem:$0x161E0];
	v8 =	vadd.f32 v18, v17;
	v1 =	vadd.f32 v4, v1;
	v4 =	vmul.f32 v17, v16  }
0x17e: {  	v12 =	vld [tilespmem:$0x16260];
	v0 =	vadd.f32 v10, v0;
	v3 =	vadd.f32 v5, v3;
	v5 =	vmul.f32 v18, v16  }
0x17f: {  	s30 =	simm.s32 $0x1;
	v13 =	vld [tilespmem:$0x16360];
	v8 =	vmul.f32 v8, v19;
	v1 =	vadd.f32 v4, v1  }
0x180: {  	v10 =	vld [tilespmem:$0x162E0];
	_ =	swait.ge [sflag:s30], $0x2800;
	v4 =	vmul.f32 v2, v21;
	v0 =	vadd.f32 v5, v0;
	v5 =	vmul.f32 v22, v21  }
0x181: {  	v15 =	vimm.s32 $0x32107654;
	[sflag:s30] =	ssyncset.done $0x0;
	v2 =	vadd.f32 v22, v2;
	v3 =	vadd.f32 v8, v3  }
0x182: {  	s31 =	simm.s32 $0x2760;
	[sflag:s30] =	ssyncadd.s32 $0xFFFFD800;
	v1 =	vadd.f32 v4, v1;
	v0 =	vadd.f32 v5, v0;
	v5 =	vmul.f32 v6, v7  }
0x183: {  	s4 =	simm.s32 $0x7580;
	v49 =	vld [tilespmem:s31+$0xFFFFFFD0];
	v2 =	vmul.f32 v2, v23;
	v4 =	vmul.f32 v48, v7;
	v8 =	vimm.s32 $0x76543210  }
0x184: {  	v50 =	vld [tilespmem:s4+$0xFFFFFFD0];
	v6 =	vadd.f32 v6, v48;
	v0 =	vadd.f32 v5, v0;
	v5 =	vimm.s32 $0xFEDCBA98  }
0x185: {  	v15 =	vunpack.c.l.s4.s8 v15;
	v51 =	vld [tilespmem:s4+$0xFFFFFFF0];
	v8 =	vunpack.c.l.s4.s8 v8;
	v5 =	vunpack.c.l.s4.s8 v5  }
0x186: {  	v56 =	vld [tilespmem:s31+$0x10];
	v2 =	vadd.f32 v2, v3;
	v1 =	vadd.f32 v4, v1;
	v4 =	vmul.f32 v6, v9  }
0x187: {  	v24 =	vld [tilespmem:s4+$0x10];
	v7 =	vadd.f32 v10, v12;
	v10 =	vmul.f32 v10, v11;
	v5 =	vunpack.c.0.s8.s32 v5  }
0x188: {  	v59 =	vld [tilespmem:s4+$0x20];
	v8 =	vunpack.c.0.s8.s32 v8;
	v2 =	vadd.f32 v4, v2;
	v4 =	vmul.f32 v12, v11  }
0x189: {  	v26 =	vld [tilespmem:s31+$0x30];
	v7 =	vmul.f32 v7, v13;
	v13 =	vimm.s32 $0xBA98FEDC;
	v5 =	vand.u32 $0xF, v5  }
0x18a: {  	v61 =	vld [tilespmem:s4+$0x30];
	v13 =	vunpack.c.l.s4.s8 v13;
	v1 =	vadd.f32 v4, v1;
	v4 =	vcombine.low v5, v8  }
0x18b: {  	v53 =	vimm.s32 $0xEFCDAB89;
	v3 =	vld [tilespmem:s31+$0x40];
	v0 =	vadd.f32 v10, v0;
	v2 =	vadd.f32 v7, v2  }
0x18c: {  	v6 =	vld [tilespmem:s4+$0x40];
	v7 =	vunpack.c.0.s8.s32 v13;
	v8 =	vunpack.c.0.s8.s32 v15;
	v10 =	vperm.xlane v1, v4  }
0x18d: {  	v9 =	vld [tilespmem:s4+$0xFFFFFFB0];
	v13 =	vimm.s32 $0xDCFE98BA;
	v15 =	vimm.s32 $0x54761032  }
0x18e: {  	v12 =	vld [tilespmem:s31+$0xFFFFFFC0];
	v7 =	vcombine.low v8, v7;
	v1 =	vadd.f32 v10, v1;
	v10 =	vperm.xlane v0, v4  }
0x18f: {  	v11 =	vld [tilespmem:s4+$0xFFFFFFC0];
	v2 =	vadd.f32 v2, v14;
	v8 =	vunpack.c.l.s4.s8 v13;
	v13 =	vunpack.c.l.s4.s8 v15  }
0x190: {  	v54 =	vimm.s32 $0x67452301;
	v16 =	vld.idx.msk [tilespmem:v49+s5+$0x0], $0xffff;
	v7 =	vand.u32 $0xF, v7;
	v0 =	vadd.f32 v10, v0  }
0x191: {  	v17 =	vld.idx.msk [tilespmem:v50+s5+$0x0], $0xffff;
	v8 =	vunpack.c.0.s8.s32 v8;
	v13 =	vunpack.c.0.s8.s32 v13;
	v4 =	vperm.xlane v2, v4  }
0x192: {  	v20 =	vunpack.c.l.s4.s8 v53;
	v5 =	vld [tilespmem:s31+$0xFFFFFFE0];
	v52 =	vperm.xlane v1, v7;
	v55 =	vperm.xlane v0, v7  }
0x193: {  	v21 =	vunpack.c.l.s4.s8 v54;
	v3 =	vld.idx.msk [tilespmem:v3+s5+$0x0], $0xffff;
	v8 =	vcombine.low v13, v8;
	v2 =	vadd.f32 v4, v2  }
0x194: {  	v57 =	vunpack.c.0.s8.s32 v20;
	v14 =	vld [tilespmem:s31+$0xFFFFFFF0];
	v1 =	vadd.f32 v52, v1;
	v0 =	vadd.f32 v55, v0  }
0x195: {  	v58 =	vunpack.c.0.s8.s32 v21;
	v6 =	vld.idx.msk [tilespmem:v6+s5+$0x0], $0xffff;
	v4 =	vand.u32 $0xF, v8;
	v7 =	vperm.xlane v2, v7  }
0x196: {  	v15 =	vld [tilespmem:s4+$0xFFFFFFE0];
	v60 =	vperm.xlane v1, v4;
	v25 =	vperm.xlane v0, v4  }
0x197: {  	v19 =	vcombine.low v58, v57;
	v12 =	vld.idx.msk [tilespmem:v12+s5+$0x0], $0xffff;
	v2 =	vadd.f32 v7, v2  }
0x198: {  	v13 =	vld [tilespmem:s4+$0x0];
	v1 =	vadd.f32 v60, v1;
	v0 =	vadd.f32 v25, v0  }
0x199: {  	v19 =	vand.u32 $0xF, v19;
	v7 =	vld [tilespmem:s31+$0xFFFFFFB0];
	v4 =	vperm.xlane v2, v4  }
0x19a: {  	v11 =	vld.idx.msk [tilespmem:v11+s5+$0x0], $0xffff;
	v22 =	vperm.xlane v1, v19;
	v25 =	vperm.xlane v0, v19  }
0x19b: {  	v10 =	vld [tilespmem:s31+$0x0];
	v4 =	vadd.f32 v4, v2  }
0x19c: {  	v5 =	vld.idx.msk [tilespmem:v5+s5+$0x0], $0xffff;
	v1 =	vadd.f32 v22, v1;
	v2 =	vadd.f32 v25, v0  }
0x19d: {  	v8 =	vld [tilespmem:s31+$0x20];
	v0 =	vperm.xlane v4, v19  }
0x19e: {  	v15 =	vld.idx.msk [tilespmem:v15+s5+$0x0], $0xffff;
	v3 =	vmul.f32 v3, v1;
	v6 =	vmul.f32 v6, v2  }
0x19f: {  	v9 =	vld.idx.msk [tilespmem:v9+s5+$0x0], $0xffff  }
0x1a0: {  	v63 =	vld.idx.msk [tilespmem:v13+s5+$0x0], $0xffff;
	v0 =	vadd.f32 v0, v4;
	v3 =	vadd.f32 v6, v3  }
0x1a1: {  	v5 =	vmul.f32 v5, v1;
	v4 =	vmul.f32 v12, v1;
	v6 =	vld.idx.msk [tilespmem:v7+s5+$0x0], $0xffff  }
0x1a2: {  	v11 =	vmul.f32 v11, v2;
	v12 =	vld.idx.msk [tilespmem:v51+s5+$0x0], $0xffff;
	v62 =	vmul.f32 v17, v2;
	v3 =	vadd.f32 v3, v0  }
0x1a3: {  	s6 =	simm.s32 $0x113A0;
	v13 =	vmul.f32 v15, v2;
	v7 =	vld.idx.msk [tilespmem:v14+s5+$0x0], $0xffff;
	v14 =	vmul.f32 v16, v1  }
0x1a4: {  	v10 =	vld.idx.msk [tilespmem:v10+s5+$0x0], $0xffff;
	[tilespmem:s6+$0x40] =	vst v3;
	v3 =	vadd.f32 v11, v4  }
0x1a5: {  	v13 =	vadd.f32 v13, v5;
	v5 =	vld.idx.msk [tilespmem:v8+s5+$0x0], $0xffff;
	v11 =	vadd.f32 v62, v14  }
0x1a6: {  	v9 =	vmul.f32 v9, v2;
	v4 =	vld.idx.msk [tilespmem:v56+s5+$0x0], $0xffff;
	v6 =	vmul.f32 v6, v1;
	v14 =	vadd.f32 v3, v0  }
0x1a7: {  	v12 =	vmul.f32 v12, v2;
	v3 =	vld.idx.msk [tilespmem:v24+s5+$0x0], $0xffff;
	v11 =	vadd.f32 v11, v0  }
0x1a8: {  	v15 =	vmul.f32 v7, v1;
	v7 =	vld.idx.msk [tilespmem:v26+s5+$0x0], $0xffff;
	v8 =	vadd.f32 v9, v6;
	[tilespmem:s6+$0xFFFFFFC0] =	vst v14  }
0x1a9: {  	v6 =	vld.idx.msk [tilespmem:v59+s5+$0x0], $0xffff;
	v9 =	vmul.f32 v10, v1;
	[tilespmem:s6+$0xFFFFFFD0] =	vst v11;
	v11 =	vadd.f32 v13, v0  }
0x1aa: {  	s7 =	simm.s32 $0x0;
	s8 =	simm.s32 $0x2800;
	v13 =	vadd.f32 v12, v15;
	v12 =	vmul.f32 v63, v2;
	v10 =	vadd.f32 v8, v0;
	v8 =	vld.idx.msk [tilespmem:v61+s5+$0x0], $0xffff  }
.LBB2_7:
0x1ab: {  	v14 =	vld [tilespmem:s8+$0x40];
	[tilespmem:s6+$0xFFFFFFE0] =	vst v11;
	v4 =	vmul.f32 v4, v1;
	s4 =	sadd.s32 $0xA0, s4  }
0x1ac: {  	s7 =	sadd.s32 $0xA0, s7;
	v3 =	vmul.f32 v3, v2;
	v11 =	vld [tilespmem:s4+$0x40];
	[tilespmem:s6+$0xFFFFFFB0] =	vst v10;
	v10 =	vadd.f32 v13, v0;
	v9 =	vadd.f32 v12, v9  }
0x1ad: {  	p0 =	slt.u32 s7, $0x4D80;
	v5 =	vmul.f32 v5, v1;
	v12 =	vld [tilespmem:s4+$0xFFFFFFB0]  }
0x1ae: {  	v3 =	vadd.f32 v3, v4;
	v4 =	vmul.f32 v6, v2;
	v13 =	vld [tilespmem:s8+$0xFFFFFFC0];
	[tilespmem:s6+$0xFFFFFFF0] =	vst v10;
	v9 =	vadd.f32 v9, v0  }
0x1af: {  	v7 =	vmul.f32 v7, v1;
	v6 =	vld [tilespmem:s4+$0xFFFFFFC0]  }
0x1b0: {  	v3 =	vadd.f32 v3, v0;
	v4 =	vadd.f32 v4, v5;
	v5 =	vmul.f32 v8, v2;
	v10 =	vld [tilespmem:s8+$0xFFFFFFD0];
	[tilespmem:s6+$0x0] =	vst v9  }
0x1b1: {  	v8 =	vld [tilespmem:s4+$0xFFFFFFD0]  }
0x1b2: {  	v9 =	vld [tilespmem:s8+$0xFFFFFFE0];
	[tilespmem:s6+$0x10] =	vst v3;
	v3 =	vadd.f32 v4, v0;
	v4 =	vadd.f32 v5, v7  }
0x1b3: {  	v5 =	vld.idx.msk [tilespmem:v14+s5+$0x0], $0xffff  }
0x1b4: {  	v7 =	vld.idx.msk [tilespmem:v11+s5+$0x0], $0xffff;
	[tilespmem:s6+$0x20] =	vst v3;
	v3 =	vadd.f32 v4, v0  }
0x1b5: {  	v4 =	vld [tilespmem:s4+$0xFFFFFFE0]  }
0x1b6: {  	v11 =	vld [tilespmem:s8+$0xFFFFFFF0];
	[tilespmem:s6+$0x30] =	vst v3  }
0x1b7: {  	v3 =	vld [tilespmem:s4+$0xFFFFFFF0]  }
0x1b8: {  	v14 =	vld [tilespmem:s8+$0x0]  }
0x1b9: {  	v15 =	vld [tilespmem:s4+$0x0]  }
0x1ba: {  	v5 =	vmul.f32 v5, v1;
	v7 =	vmul.f32 v7, v2;
	v16 =	vld [tilespmem:s8+$0x10]  }
0x1bb: {  	v17 =	vld [tilespmem:s4+$0x10]  }
0x1bc: {  	v5 =	vadd.f32 v7, v5;
	v18 =	vld [tilespmem:s8+$0x20]  }
0x1bd: {  	v7 =	vld [tilespmem:s4+$0x20]  }
0x1be: {  	v5 =	vadd.f32 v5, v0;
	v19 =	vld [tilespmem:s8+$0x30]  }
0x1bf: {  	s6 =	sadd.s32 $0xA0, s6;
	v20 =	vld [tilespmem:s4+$0x30]  }
0x1c0: {  	v21 =	vld [tilespmem:s8+$0xFFFFFFB0];
	[tilespmem:s6+$0x40] =	vst v5  }
0x1c1: {  	v5 =	vld.idx.msk [tilespmem:v12+s5+$0x0], $0xffff  }
0x1c2: {  	v12 =	vld.idx.msk [tilespmem:v13+s5+$0x0], $0xffff  }
0x1c3: {  	v6 =	vld.idx.msk [tilespmem:v6+s5+$0x0], $0xffff  }
0x1c4: {  	v10 =	vld.idx.msk [tilespmem:v10+s5+$0x0], $0xffff  }
0x1c5: {  	v8 =	vld.idx.msk [tilespmem:v8+s5+$0x0], $0xffff  }
0x1c6: {  	v9 =	vld.idx.msk [tilespmem:v9+s5+$0x0], $0xffff  }
0x1c7: {  	v13 =	vmul.f32 v5, v2;
	v4 =	vld.idx.msk [tilespmem:v4+s5+$0x0], $0xffff  }
0x1c8: {  	v12 =	vmul.f32 v12, v1;
	v5 =	vld.idx.msk [tilespmem:v21+s5+$0x0], $0xffff  }
0x1c9: {  	v6 =	vmul.f32 v6, v2;
	v11 =	vld.idx.msk [tilespmem:v11+s5+$0x0], $0xffff  }
0x1ca: {  	v10 =	vmul.f32 v10, v1;
	v21 =	vld.idx.msk [tilespmem:v3+s5+$0x0], $0xffff  }
0x1cb: {  	v3 =	vadd.f32 v6, v12;
	v6 =	vmul.f32 v8, v2;
	v8 =	vld.idx.msk [tilespmem:v14+s5+$0x0], $0xffff  }
0x1cc: {  	v9 =	vmul.f32 v9, v1;
	v12 =	vld.idx.msk [tilespmem:v15+s5+$0x0], $0xffff  }
0x1cd: {  	v14 =	vadd.f32 v3, v0;
	v6 =	vadd.f32 v6, v10;
	v10 =	vmul.f32 v4, v2;
	v4 =	vld.idx.msk [tilespmem:v16+s5+$0x0], $0xffff  }
.Ltmp3:
0x1ce: {  	v15 =	vmul.f32 v5, v1;
	v3 =	vld.idx.msk [tilespmem:v17+s5+$0x0], $0xffff;
	(pc) =	sbr.rel @p0 .LBB2_7-.Ltmp3, $4  }
0x1cf: {  	v16 =	vadd.f32 v6, v0;
	v9 =	vadd.f32 v10, v9;
	v17 =	vmul.f32 v11, v1;
	v5 =	vld.idx.msk [tilespmem:v18+s5+$0x0], $0xffff  }
0x1d0: {  	v10 =	vadd.f32 v13, v15;
	v13 =	vmul.f32 v21, v2;
	[tilespmem:s6+$0xFFFFFFC0] =	vst v14;
	v6 =	vld.idx.msk [tilespmem:v7+s5+$0x0], $0xffff  }
0x1d1: {  	v11 =	vadd.f32 v9, v0;
	v9 =	vmul.f32 v8, v1;
	[tilespmem:s6+$0xFFFFFFD0] =	vst v16;
	v7 =	vld.idx.msk [tilespmem:v19+s5+$0x0], $0xffff  }
0x1d2: {  	s8 =	sadd.s32 $0xA0, s8;
	v10 =	vadd.f32 v10, v0;
	v13 =	vadd.f32 v13, v17;
	v12 =	vmul.f32 v12, v2;
	v8 =	vld.idx.msk [tilespmem:v20+s5+$0x0], $0xffff  }
0x1d3: {  	_ =	sdelay $0x1  }
0x1d4: {  	v4 =	vmul.f32 v4, v1;
	v3 =	vmul.f32 v3, v2;
	v13 =	vadd.f32 v13, v0  }
0x1d5: {  	v9 =	vadd.f32 v12, v9;
	v5 =	vmul.f32 v5, v1;
	v6 =	vmul.f32 v6, v2  }
0x1d6: {  	[tilespmem:s6+$0xFFFFFFE0] =	vst v11;
	v3 =	vadd.f32 v3, v4;
	v59 =	vmul.f32 v7, v1;
	v60 =	vmul.f32 v8, v2  }
0x1d7: {  	[tilespmem:s6+$0xFFFFFFB0] =	vst v10;
	v61 =	vadd.f32 v9, v0;
	v5 =	vadd.f32 v6, v5  }
0x1d8: {  	[tilespmem:s6+$0xFFFFFFF0] =	vst v13;
	v3 =	vadd.f32 v3, v0;
	v1 =	vadd.f32 v60, v59  }
0x1d9: {  	[tilespmem:s6+$0x0] =	vst v61;
	v62 =	vadd.f32 v5, v0  }
0x1da: {  	[tilespmem:s6+$0x10] =	vst v3;
	v63 =	vadd.f32 v1, v0  }
0x1db: {  	s2 =	sadd.s32 s3, s2;
	[tilespmem:s6+$0x20] =	vst v62  }
0x1dc: {  	s30 =	simm.s32 $0x0;
	s4 =	simm.s32 $0x11350;
	s31 =	simm.s32 $0x3;
	[tilespmem:s6+$0x30] =	vst v63  }
0x1dd: {  	[hbm4b:s2+s30] =	stream.linear.scatter [tilespmem:s4], [sflag:$0x3], $0x4E20, $0x38;
	[tilespmem:$0x18E00] =	vst v63  }
0x1de: {  	_ =	swait.ge [sflag:s31], $0x4E20  }
0x1df: {  	[sflag:s31] =	ssyncset.done $0x0  }
0x1e0: {  	[sflag:s31] =	ssyncadd.s32 $0xFFFFB1E0  }
0x1e1: {  	_ =	sfence.sel $0x180000  }
0x1e2: {  	[bflag:$0x0] =	sbarrier.arrive $0xFFFF  }
0x1e3: {  	p0 =	sne.s32 s1, $0x0;
	_ =	strace $0x90000047  }
0x1e4: {  	s0 =	sadd.s32 @!p0 $0x100000, s0;
	[bflag:$0x2] =	sbarrier.arrive $0xFFFF  }
0x1e5: {  	[sflag:s0] =	ssyncadd.tile.s32 @!p0 $0x1;
	_ =	shalt  }
.Lfunc_end2:
_tile_overlayer_lowered:
.L_overlay_start_2:
0x1e6: {  	(tag) =	ssettag $0x2  }
0x1e7: {  	s0 =	rddreg [dreg:$0x0];
	s2 =	stileid.u32  }
0x1e8: {  	s1 =	rddreg [dreg:$0x1];
	p0 =	sne.s32 s2, $0x0  }
0x1e9: {  	s3 =	rddreg [dreg:$0x2];
	[bflag:$0x3] =	sbarrier.arrive $0xFFFF;
	s2 =	simm.s32 @!p0 $0x1C03  }
0x1ea: {  	[timem:s3], [sflag:s2] =	dma.local @!p0 [hbm:s0], s1  }
0x1eb: {  	s0 =	simm.s32 @!p0 $0x3  }
0x1ec: {  	_ =	swait.ge @!p0 [sflag:s0], s1  }
0x1ed: {  	s1 =	ssub.s32 @!p0 $0x0, s1;
	[sflag:s0] =	ssyncset.done @!p0 $0x0  }
0x1ee: {  	[sflag:s0] =	ssyncadd.s32 @!p0 s1  }
0x1ef: {  	[bflag:$0x3] =	sbarrier.arrive $0xFFFF  }
0x1f0: {  	_ =	shalt  }

</sc_bundles>
